<compile_context>
chip_gen: v7x
topology: tpu7x:2x2x1
jax: 0.10.2.dev20260603
libtpu: 0.0.44.dev20260713+nightly
codegen_flags: <defaults>
</compile_context>

<pallas_src>
import functools

import jax
import jax.numpy as jnp
from jax import lax
from jax.experimental import pallas as pl
from jax.experimental.pallas import tpu as pltpu
from jax.experimental.pallas import tpu_sc as plsc

_VOCAB = 1000000
_EMB = 64
_HID = 64
_B = 4096
_L = 50
_N = _B * _L

_LANES = 16
_IW = 128
_XW = 128


def _make_sc_gather():
  info = plsc.get_sparse_core_info()
  nw = info.num_cores * info.num_subcores

  mesh = plsc.VectorSubcoreMesh(core_axis_name="c", subcore_axis_name="s")

  @functools.partial(
      pl.kernel,
      mesh=mesh,
      out_type=jax.ShapeDtypeStruct((_L // 2, _B, _XW), jnp.float32),
      scratch_types=[
          pltpu.VMEM((_IW, _XW), jnp.int32),
          pltpu.VMEM((_L, _IW), jnp.int32),
          pltpu.VMEM((2, _IW, _EMB), jnp.float32),
          pltpu.SemaphoreType.DMA,
          pltpu.SemaphoreType.DMA,
      ],
      compiler_params=pltpu.CompilerParams(
          use_tc_tiling_on_sc=False, needs_layout_passes=False),
  )
  def gather_k(src_hbm, table_hbm, out_hbm, srcbuf_v, idx_v, buf_v,
               sem_a, sem_b):
    wid = lax.axis_index("s") * info.num_cores + lax.axis_index("c")
    b0 = wid * _IW
    gpr = _IW // _LANES

    pltpu.sync_copy(src_hbm.at[pl.ds(b0, _IW)], srcbuf_v)

    def trans_row(t, carry):
      def trans_group(g, carry2):
        rows = g * _LANES + lax.iota(jnp.int32, _LANES)
        cols = jnp.full((_LANES,), t, jnp.int32)
        idx_v[t, pl.ds(g * _LANES, _LANES)] = plsc.load_gather(
            srcbuf_v, [rows, cols])
        return carry2
      return lax.fori_loop(0, gpr, trans_group, carry)
    lax.fori_loop(0, _L, trans_row, 0)

    sems = (sem_a, sem_b)

    def start_gather(t, sl):
      pltpu.make_async_copy(
          table_hbm.at[idx_v.at[t]], buf_v.at[sl], sems[sl]).start()

    def wait_gather(t, sl):
      pltpu.make_async_copy(
          table_hbm.at[idx_v.at[t]], buf_v.at[sl], sems[sl]).wait()

    def zero_pad_rows(t, sl):
      def cnt_group(g, acc):
        idx16 = idx_v[t, pl.ds(g * _LANES, _LANES)]
        return acc + plsc.all_reduce_population_count(idx16 == 0)
      cnt_vec = lax.fori_loop(
          0, gpr, cnt_group, jnp.zeros((_LANES,), jnp.int32))
      cnt = jnp.sum(cnt_vec)

      @pl.when(cnt > 0)
      def _():
        def zero_group(g, carry2):
          idx16 = idx_v[t, pl.ds(g * _LANES, _LANES)]
          m = idx16 == 0
          rowids = g * _LANES + lax.iota(jnp.int32, _LANES)
          zeros16 = jnp.zeros((_LANES,), jnp.float32)
          for s in range(_EMB):
            plsc.store_scatter(
                buf_v.at[sl], [rowids, jnp.full((_LANES,), s, jnp.int32)],
                zeros16, mask=m)
          return carry2
        lax.fori_loop(0, gpr, zero_group, 0)

    start_gather(0, 0)

    def chunk_pair(p, carry):
      for sl in range(2):
        t = p * 2 + sl

        @pl.when(t + 1 < _L)
        def _():
          start_gather(t + 1, 1 - sl)
        wait_gather(t, sl)
        zero_pad_rows(t, sl)
        pltpu.sync_copy(
            buf_v.at[sl],
            out_hbm.at[p, pl.ds(b0, _IW), pl.ds(sl * _EMB, _EMB)])
      return carry

    lax.fori_loop(0, _L // 2, chunk_pair, 0)

  return gather_k


def _gru_body(x_ref, wxe_ref, wxo_ref, wh_ref, brz_ref, bin_ref, bhn_ref,
              h_ref):
  t = pl.program_id(0)

  @pl.when(t == 0)
  def _():
    h_ref[...] = jnp.zeros_like(h_ref)

  xp = x_ref[0]
  h = h_ref[...]

  def mm(a, w):
    return lax.dot_general(
        a, w, (((1,), (0,)), ((), ())),
        preferred_element_type=jnp.float32)

  def step(h, gi):
    gh = mm(h, wh_ref[...])
    rz = jax.nn.sigmoid(gi[:, :2 * _HID] + gh[:, :2 * _HID] + brz_ref[...])
    r = rz[:, :_HID]
    z = rz[:, _HID:]
    gin = gi[:, 2 * _HID:] + bin_ref[...]
    ghn = gh[:, 2 * _HID:] + bhn_ref[...]
    n = jnp.tanh(gin + r * ghn)
    return (1.0 - z) * n + z * h

  h = step(h, mm(xp, wxe_ref[...]))
  h = step(h, mm(xp, wxo_ref[...]))
  h_ref[...] = h


def _run_gru(xs, W_ih, W_hh, b_ih, b_hh):
  wih_t = W_ih.T
  wxe = jnp.zeros((_XW, 3 * _HID), jnp.float32).at[:_EMB].set(wih_t)
  wxo = jnp.zeros((_XW, 3 * _HID), jnp.float32).at[_EMB:].set(wih_t)
  whh_t = W_hh.T
  brz = (b_ih[:2 * _HID] + b_hh[:2 * _HID]).reshape(1, 2 * _HID)
  bin_ = b_ih[2 * _HID:].reshape(1, _HID)
  bhn = b_hh[2 * _HID:].reshape(1, _HID)

  full = lambda shape: pl.BlockSpec(shape, lambda t: (0,) * len(shape))
  grid_spec = pltpu.PrefetchScalarGridSpec(
      num_scalar_prefetch=0,
      grid=(_L // 2,),
      in_specs=[
          pl.BlockSpec((1, _B, _XW), lambda t: (t, 0, 0)),
          full((_XW, 3 * _HID)), full((_XW, 3 * _HID)),
          full((_HID, 3 * _HID)),
          full((1, 2 * _HID)), full((1, _HID)), full((1, _HID)),
      ],
      out_specs=pl.BlockSpec((_B, _HID), lambda t: (0, 0)),
  )
  h = pl.pallas_call(
      _gru_body,
      grid_spec=grid_spec,
      out_shape=jax.ShapeDtypeStruct((_B, _HID), jnp.float32),
  )(xs, wxe, wxo, whh_t, brz, bin_, bhn)
  return h


@jax.jit
def kernel(src, emb_table, W_ih, W_hh, b_ih, b_hh):
  gather_k = _make_sc_gather()
  src_p = jnp.pad(src, ((0, 0), (0, _XW - _L)))
  xs = gather_k(src_p, emb_table)
  h = _run_gru(xs, W_ih, W_hh, b_ih, b_hh)
  return h[None, :, :]

# --- scband reference (transcript-rebuilt; emitter-appended) ---
"""Pipeline reference for scband-encoder-1039382086081 (READ-ONLY COPY).

The authoritative reference and input builder live on the scoring server;
editing this copy changes nothing except your own understanding.
"""

import jax, jax.numpy as jnp
import numpy as np

VOCAB = 1000000
EMB = 64
HID = 64
B = 4096
L = 50


def setup_inputs(seed: int = 0) -> dict:
    key = jax.random.key(seed)
    k1, k2, k3, k4, k5, k6 = jax.random.split(key, 6)
    src = jax.random.randint(k1, (B, L), 0, VOCAB, dtype=jnp.int32)
    emb_table = jax.random.normal(k2, (VOCAB, EMB), dtype=jnp.float32)
    bound = 1.0 / np.sqrt(HID)
    W_ih = jax.random.uniform(k3, (3 * HID, EMB), minval=-bound, maxval=bound, dtype=jnp.float32)
    W_hh = jax.random.uniform(k4, (3 * HID, HID), minval=-bound, maxval=bound, dtype=jnp.float32)
    b_ih = jax.random.uniform(k5, (3 * HID,), minval=-bound, maxval=bound, dtype=jnp.float32)
    b_hh = jax.random.uniform(k6, (3 * HID,), minval=-bound, maxval=bound, dtype=jnp.float32)
    return {"src": src, "emb_table": emb_table, "W_ih": W_ih, "W_hh": W_hh, "b_ih": b_ih, "b_hh": b_hh}


def reference(src, emb_table, W_ih, W_hh, b_ih, b_hh):
    # nn.Embedding with padding_idx=0: row 0 is zero
    table = emb_table.at[0].set(jnp.zeros((EMB,), dtype=emb_table.dtype))
    embedded = jnp.take(table, src, axis=0)  # [B, L, EMB]

    def step(h, xt):
        gi = xt @ W_ih.T + b_ih  # [B, 3H]
        gh = h @ W_hh.T + b_hh   # [B, 3H]
        i_r, i_z, i_n = jnp.split(gi, 3, axis=-1)
        h_r, h_z, h_n = jnp.split(gh, 3, axis=-1)
        r = jax.nn.sigmoid(i_r + h_r)
        z = jax.nn.sigmoid(i_z + h_z)
        n = jnp.tanh(i_n + r * h_n)
        h_new = (1.0 - z) * n + z * h
        return h_new, None

    h0 = jnp.zeros((B, HID), dtype=jnp.float32)
    xs = jnp.swapaxes(embedded, 0, 1)  # [L, B, EMB]
    h_final, _ = jax.lax.scan(step, h0, xs)
    hidden = h_final[None, :, :]  # [1, B, HID] matching torch GRU hidden output
    return hidden

if __name__ == "__main__":
    import jax
    _d = setup_inputs()
    print(jax.jit(kernel)(*tuple(_d.values())))

</pallas_src>

<mosaic_0001>
#map = affine_map<(d0, d1) -> (0, 0)>
#map1 = affine_map<(d0, d1) -> (0, 0, 0)>
module attributes {stable_mosaic.version = 14 : i64} {
  func.func @gather_k(%arg0: i32, %arg1: i32, %arg2: memref<4096x128xi32, #tpu.memory_space<hbm>>, %arg3: memref<1000000x64xf32, #tpu.memory_space<hbm>>, %arg4: memref<25x4096x128xf32, #tpu.memory_space<hbm>>, %arg5: memref<128x128xi32, #tpu.memory_space<vmem>>, %arg6: memref<50x128xi32, #tpu.memory_space<vmem>>, %arg7: memref<2x128x64xf32, #tpu.memory_space<vmem>>, %arg8: memref<!tpu.dma_semaphore, #tpu.memory_space<semaphore_mem>>, %arg9: memref<!tpu.dma_semaphore, #tpu.memory_space<semaphore_mem>>) attributes {dimension_semantics = [#tpu.dimension_semantics<core_parallel>, #tpu.dimension_semantics<subcore_parallel>], iteration_bounds = array<i64: 2, 16>, scalar_prefetch = 0 : i64, scratch_operands = 5 : i64, tpu.core_type = #tpu.core_type<sc_vector_subcore>, window_params = [{transform_indices = #map}, {transform_indices = #map}, {transform_indices = #map1}]} {
    %mul3A = arith.constant 2 : i32
    %mul3A_0 = arith.muli %arg1, %mul3A : i32
    %add3A = arith.addi %mul3A_0, %arg0 : i32
    %mul3A_1 = arith.constant 128 : i32
    %mul3A_2 = arith.muli %add3A, %mul3A_1 : i32
    "tpu.region"() ({
      %run_scoped3A = tpu.sem_alloc : memref<!tpu.dma_semaphore, #tpu.memory_space<semaphore_mem>>
      %dma_start3A_25 = arith.constant 0 : i32
      %dma_start3A_26 = tpu.memref_slice %arg2[%mul3A_2, %dma_start3A_25] : memref<4096x128xi32, #tpu.memory_space<hbm>> -> memref<128x128xi32, #tpu.memory_space<hbm>>
      %dma_start3A_27 = arith.constant 0 : i32
      %dma_start3A_28 = tpu.memref_slice %arg2[%mul3A_2, %dma_start3A_27] : memref<4096x128xi32, #tpu.memory_space<hbm>> -> memref<128x128xi32, #tpu.memory_space<hbm>>
      tpu.enqueue_dma source(%dma_start3A_28 : memref<128x128xi32, #tpu.memory_space<hbm>>) target(%arg5 : memref<128x128xi32, #tpu.memory_space<vmem>>) target_semaphore(%run_scoped3A : memref<!tpu.dma_semaphore, #tpu.memory_space<semaphore_mem>>)
      %dma_wait3A = arith.constant 0 : i32
      %dma_wait3A_29 = tpu.memref_slice %arg2[%mul3A_2, %dma_wait3A] : memref<4096x128xi32, #tpu.memory_space<hbm>> -> memref<128x128xi32, #tpu.memory_space<hbm>>
      %dma_wait3A_30 = arith.constant 0 : i32
      %dma_wait3A_31 = tpu.memref_slice %arg2[%mul3A_2, %dma_wait3A_30] : memref<4096x128xi32, #tpu.memory_space<hbm>> -> memref<128x128xi32, #tpu.memory_space<hbm>>
      tpu.wait_dma2 semaphore(%run_scoped3A : memref<!tpu.dma_semaphore, #tpu.memory_space<semaphore_mem>>) src(%dma_wait3A_31 : memref<128x128xi32, #tpu.memory_space<hbm>>) dst(%arg5 : memref<128x128xi32, #tpu.memory_space<vmem>>)
      tpu.yield
    }) : () -> ()
    %scan3A = arith.constant 0 : i32
    %scan3A_3 = arith.constant 0 : i32
    %scan3A_4 = arith.constant 50 : i32
    %scan3A_5 = arith.addi %scan3A_3, %scan3A_4 : i32
    %scan3A_6 = arith.constant 1 : i32
    scf.for %scan3A_25 = %scan3A_3 to %scan3A_5 step %scan3A_6  : i32 {
      %scan3A_26 = arith.constant 0 : i32
      %scan3A_27 = arith.constant 8 : i32
      %scan3A_28 = arith.addi %scan3A_26, %scan3A_27 : i32
      %scan3A_29 = arith.constant 1 : i32
      scf.for %scan3A_31 = %scan3A_26 to %scan3A_28 step %scan3A_29  : i32 {
        %mul3A_32 = arith.constant 16 : i32
        %mul3A_33 = arith.muli %scan3A_31, %mul3A_32 : i32
        %iota3A = tpu.iota {dimensions = array<i32: 0>} : vector<16xi32>
        %add3A_34 = vector.broadcast %mul3A_33 : i32 to vector<16xi32>
        %add3A_35 = arith.addi %add3A_34, %iota3A : vector<16xi32>
        %broadcast_in_dim3A = vector.broadcast %scan3A_25 : i32 to vector<16xi32>
        %gather3A = tpu.vector_load_idx %arg5[%add3A_35, %broadcast_in_dim3A] : memref<128x128xi32, #tpu.memory_space<vmem>>[vector<16xi32>, vector<16xi32>], vector<16xi32>,
        %mul3A_36 = arith.constant 16 : i32
        %mul3A_37 = arith.muli %scan3A_31, %mul3A_36 : i32
        %swap3A = arith.index_cast %scan3A_25 : i32 to index
        %swap3A_38 = arith.index_cast %mul3A_37 : i32 to index
        %swap3A_39 = tpu.vector_load %arg6[%swap3A, %swap3A_38] {strides = array<i32>} : memref<50x128xi32, #tpu.memory_space<vmem>>, vector<16xi32>,
        tpu.vector_store %arg6[%swap3A, %swap3A_38], %gather3A {strides = array<i32>} : memref<50x128xi32, #tpu.memory_space<vmem>>, vector<16xi32>,
      }
      %scan3A_30 = arith.constant 8 : i32
    }
    %scan3A_7 = arith.constant 50 : i32
    %dma_start3A = arith.constant 0 : i32
    %dma_start3A_8 = arith.constant 0 : i32
    %dma_start3A_9 = arith.constant 0 : i32
    %dma_start3A_10 = arith.constant 0 : i32
    %dma_start3A_11 = tpu.memref_slice %arg7[%dma_start3A_8, %dma_start3A_9, %dma_start3A_10] : memref<2x128x64xf32, #tpu.memory_space<vmem>> -> memref<1x128x64xf32, #tpu.memory_space<vmem>>
    %dma_start3A_12 = tpu.memref_squeeze %dma_start3A_11 : memref<1x128x64xf32, #tpu.memory_space<vmem>> -> memref<128x64xf32, #tpu.memory_space<vmem>>
    %dma_start3A_13 = arith.constant 0 : i32
    %dma_start3A_14 = tpu.memref_slice %arg6[%dma_start3A, %dma_start3A_13] : memref<50x128xi32, #tpu.memory_space<vmem>> -> memref<1x128xi32, #tpu.memory_space<vmem>>
    %dma_start3A_15 = tpu.memref_squeeze %dma_start3A_14 : memref<1x128xi32, #tpu.memory_space<vmem>> -> memref<128xi32, #tpu.memory_space<vmem>>
    %dma_start3A_16 = arith.constant 0 : i32
    %dma_start3A_17 = arith.constant 0 : i32
    %dma_start3A_18 = tpu.memref_slice %arg3[%dma_start3A_16, %dma_start3A_17] : memref<1000000x64xf32, #tpu.memory_space<hbm>> -> memref<1000000x64xf32, #tpu.memory_space<hbm>>
    tpu.enqueue_indirect_dma source(%dma_start3A_18 : memref<1000000x64xf32, #tpu.memory_space<hbm>>) target(%dma_start3A_12 : memref<128x64xf32, #tpu.memory_space<vmem>>) offsets(%dma_start3A_15 : memref<128xi32, #tpu.memory_space<vmem>>) semaphore(%arg8 : memref<!tpu.dma_semaphore, #tpu.memory_space<semaphore_mem>>)
    %scan3A_19 = arith.constant 0 : i32
    %scan3A_20 = arith.constant 0 : i32
    %scan3A_21 = arith.constant 25 : i32
    %scan3A_22 = arith.addi %scan3A_20, %scan3A_21 : i32
    %scan3A_23 = arith.constant 1 : i32
    scf.for %scan3A_25 = %scan3A_20 to %scan3A_22 step %scan3A_23  : i32 {
      %mul3A_26 = arith.constant 2 : i32
      %mul3A_27 = arith.muli %scan3A_25, %mul3A_26 : i32
      %add3A_28 = arith.constant 0 : i32
      %add3A_29 = arith.addi %mul3A_27, %add3A_28 : i32
      %add3A_30 = arith.constant 1 : i32
      %add3A_31 = arith.addi %add3A_29, %add3A_30 : i32
      %lt3A = arith.constant 50 : i32
      %lt3A_32 = arith.cmpi slt, %add3A_31, %lt3A : i32
      %convert_element_type3A = arith.extui %lt3A_32 : i1 to i32
      %cond3A = arith.constant 0 : i32
      %cond3A_33 = arith.cmpi ne, %convert_element_type3A, %cond3A : i32
      scf.if %cond3A_33 {
        %add3A_98 = arith.constant 1 : i32
        %add3A_99 = arith.addi %add3A_29, %add3A_98 : i32
        %dma_start3A_100 = arith.constant 1 : i32
        %dma_start3A_101 = arith.constant 0 : i32
        %dma_start3A_102 = arith.constant 0 : i32
        %dma_start3A_103 = tpu.memref_slice %arg7[%dma_start3A_100, %dma_start3A_101, %dma_start3A_102] : memref<2x128x64xf32, #tpu.memory_space<vmem>> -> memref<1x128x64xf32, #tpu.memory_space<vmem>>
        %dma_start3A_104 = tpu.memref_squeeze %dma_start3A_103 : memref<1x128x64xf32, #tpu.memory_space<vmem>> -> memref<128x64xf32, #tpu.memory_space<vmem>>
        %dma_start3A_105 = arith.constant 0 : i32
        %dma_start3A_106 = tpu.memref_slice %arg6[%add3A_99, %dma_start3A_105] : memref<50x128xi32, #tpu.memory_space<vmem>> -> memref<1x128xi32, #tpu.memory_space<vmem>>
        %dma_start3A_107 = tpu.memref_squeeze %dma_start3A_106 : memref<1x128xi32, #tpu.memory_space<vmem>> -> memref<128xi32, #tpu.memory_space<vmem>>
        %dma_start3A_108 = arith.constant 0 : i32
        %dma_start3A_109 = arith.constant 0 : i32
        %dma_start3A_110 = tpu.memref_slice %arg3[%dma_start3A_108, %dma_start3A_109] : memref<1000000x64xf32, #tpu.memory_space<hbm>> -> memref<1000000x64xf32, #tpu.memory_space<hbm>>
        tpu.enqueue_indirect_dma source(%dma_start3A_110 : memref<1000000x64xf32, #tpu.memory_space<hbm>>) target(%dma_start3A_104 : memref<128x64xf32, #tpu.memory_space<vmem>>) offsets(%dma_start3A_107 : memref<128xi32, #tpu.memory_space<vmem>>) semaphore(%arg9 : memref<!tpu.dma_semaphore, #tpu.memory_space<semaphore_mem>>)
      } else {
      }
      %dma_wait3A = arith.constant 0 : i32
      %dma_wait3A_34 = arith.constant 0 : i32
      %dma_wait3A_35 = arith.constant 0 : i32
      %dma_wait3A_36 = tpu.memref_slice %arg7[%dma_wait3A, %dma_wait3A_34, %dma_wait3A_35] : memref<2x128x64xf32, #tpu.memory_space<vmem>> -> memref<1x128x64xf32, #tpu.memory_space<vmem>>
      %dma_wait3A_37 = tpu.memref_squeeze %dma_wait3A_36 : memref<1x128x64xf32, #tpu.memory_space<vmem>> -> memref<128x64xf32, #tpu.memory_space<vmem>>
      %dma_wait3A_38 = arith.constant 0 : i32
      %dma_wait3A_39 = tpu.memref_slice %arg6[%add3A_29, %dma_wait3A_38] : memref<50x128xi32, #tpu.memory_space<vmem>> -> memref<1x128xi32, #tpu.memory_space<vmem>>
      %dma_wait3A_40 = tpu.memref_squeeze %dma_wait3A_39 : memref<1x128xi32, #tpu.memory_space<vmem>> -> memref<128xi32, #tpu.memory_space<vmem>>
      %dma_wait3A_41 = arith.constant 0 : i32
      %dma_wait3A_42 = arith.constant 0 : i32
      %dma_wait3A_43 = tpu.memref_slice %arg3[%dma_wait3A_41, %dma_wait3A_42] : memref<1000000x64xf32, #tpu.memory_space<hbm>> -> memref<1000000x64xf32, #tpu.memory_space<hbm>>
      tpu.wait_indirect_dma semaphore(%arg8 : memref<!tpu.dma_semaphore, #tpu.memory_space<semaphore_mem>>) src(%dma_wait3A_43 : memref<1000000x64xf32, #tpu.memory_space<hbm>>) dst(%dma_wait3A_37 : memref<128x64xf32, #tpu.memory_space<vmem>>)
      %broadcast_in_dim3A = arith.constant 0 : i32
      %broadcast_in_dim3A_44 = vector.broadcast %broadcast_in_dim3A : i32 to vector<16xi32>
      %scan3A_45 = arith.constant 0 : i32
      %scan3A_46 = arith.constant 8 : i32
      %scan3A_47 = arith.addi %scan3A_45, %scan3A_46 : i32
      %scan3A_48 = arith.constant 1 : i32
      %scan3A_49 = scf.for %scan3A_98 = %scan3A_45 to %scan3A_47 step %scan3A_48 iter_args(%scan3A_99 = %broadcast_in_dim3A_44) -> (vector<16xi32>)  : i32 {
        %mul3A_100 = arith.constant 16 : i32
        %mul3A_101 = arith.muli %scan3A_98, %mul3A_100 : i32
        %get3A = arith.index_cast %add3A_29 : i32 to index
        %get3A_102 = arith.index_cast %mul3A_101 : i32 to index
        %get3A_103 = tpu.vector_load %arg6[%get3A, %get3A_102] {strides = array<i32>} : memref<50x128xi32, #tpu.memory_space<vmem>>, vector<16xi32>,
        %eq3A = arith.constant 0 : i32
        %eq3A_104 = vector.broadcast %eq3A : i32 to vector<16xi32>
        %eq3A_105 = arith.cmpi eq, %get3A_103, %eq3A_104 : vector<16xi32>
        %all_reduce_population_count3A = tpu.all_reduce %eq3A_105 {dim = 0 : i64, kind = #tpu.reduction_kind<sum>} : vector<16xi1> -> vector<16xi32>
        %add3A_106 = arith.addi %scan3A_99, %all_reduce_population_count3A : vector<16xi32>
        scf.yield %add3A_106 : vector<16xi32>
      }
      %scan3A_50 = arith.constant 8 : i32
      %reduce_sum3A = arith.constant true
      %reduce_sum3A_51 = vector.broadcast %reduce_sum3A : i1 to vector<16xi1>
      %reduce_sum3A_52 = tpu.scan <sum>, %scan3A_49 masked %reduce_sum3A_51 : vector<16xi32>, vector<16xi1> -> vector<16xi32>
      %reduce_sum3A_53 = vector.extract %reduce_sum3A_52[15] : i32 from vector<16xi32>
      %gt3A = arith.constant 0 : i32
      %gt3A_54 = arith.cmpi sgt, %reduce_sum3A_53, %gt3A : i32
      %convert_element_type3A_55 = arith.extui %gt3A_54 : i1 to i32
      %cond3A_56 = arith.constant 0 : i32
      %cond3A_57 = arith.cmpi ne, %convert_element_type3A_55, %cond3A_56 : i32
      scf.if %cond3A_57 {
        %scan3A_98 = arith.constant 0 : i32
        %scan3A_99 = arith.constant 0 : i32
        %scan3A_100 = arith.constant 8 : i32
        %scan3A_101 = arith.addi %scan3A_99, %scan3A_100 : i32
        %scan3A_102 = arith.constant 1 : i32
        scf.for %scan3A_104 = %scan3A_99 to %scan3A_101 step %scan3A_102  : i32 {
          %mul3A_105 = arith.constant 16 : i32
          %mul3A_106 = arith.muli %scan3A_104, %mul3A_105 : i32
          %get3A = arith.index_cast %add3A_29 : i32 to index
          %get3A_107 = arith.index_cast %mul3A_106 : i32 to index
          %get3A_108 = tpu.vector_load %arg6[%get3A, %get3A_107] {strides = array<i32>} : memref<50x128xi32, #tpu.memory_space<vmem>>, vector<16xi32>,
          %eq3A = arith.constant 0 : i32
          %eq3A_109 = vector.broadcast %eq3A : i32 to vector<16xi32>
          %eq3A_110 = arith.cmpi eq, %get3A_108, %eq3A_109 : vector<16xi32>
          %mul3A_111 = arith.constant 16 : i32
          %mul3A_112 = arith.muli %scan3A_104, %mul3A_111 : i32
          %iota3A = tpu.iota {dimensions = array<i32: 0>} : vector<16xi32>
          %add3A_113 = vector.broadcast %mul3A_112 : i32 to vector<16xi32>
          %add3A_114 = arith.addi %add3A_113, %iota3A : vector<16xi32>
          %broadcast_in_dim3A_115 = arith.constant 0.000000e+00 : f32
          %broadcast_in_dim3A_116 = vector.broadcast %broadcast_in_dim3A_115 : f32 to vector<16xf32>
          %broadcast_in_dim3A_117 = arith.constant 0 : i32
          %broadcast_in_dim3A_118 = vector.broadcast %broadcast_in_dim3A_117 : i32 to vector<16xi32>
          %scatter3A = arith.constant 0 : i32
          %scatter3A_119 = arith.constant 0 : i32
          %scatter3A_120 = arith.constant 0 : i32
          %scatter3A_121 = tpu.memref_slice %arg7[%scatter3A, %scatter3A_119, %scatter3A_120] : memref<2x128x64xf32, #tpu.memory_space<vmem>> -> memref<1x128x64xf32, #tpu.memory_space<vmem>>
          %scatter3A_122 = tpu.memref_squeeze %scatter3A_121 : memref<1x128x64xf32, #tpu.memory_space<vmem>> -> memref<128x64xf32, #tpu.memory_space<vmem>>
          tpu.vector_store_idx %scatter3A_122[%add3A_114, %broadcast_in_dim3A_118], %broadcast_in_dim3A_116 masked %eq3A_110 : memref<128x64xf32, #tpu.memory_space<vmem>>[vector<16xi32>, vector<16xi32>], vector<16xf32>, vector<16xi1>
          %broadcast_in_dim3A_123 = arith.constant 1 : i32
          %broadcast_in_dim3A_124 = vector.broadcast %broadcast_in_dim3A_123 : i32 to vector<16xi32>
          %scatter3A_125 = arith.constant 0 : i32
          %scatter3A_126 = arith.constant 0 : i32
          %scatter3A_127 = arith.constant 0 : i32
          %scatter3A_128 = tpu.memref_slice %arg7[%scatter3A_125, %scatter3A_126, %scatter3A_127] : memref<2x128x64xf32, #tpu.memory_space<vmem>> -> memref<1x128x64xf32, #tpu.memory_space<vmem>>
          %scatter3A_129 = tpu.memref_squeeze %scatter3A_128 : memref<1x128x64xf32, #tpu.memory_space<vmem>> -> memref<128x64xf32, #tpu.memory_space<vmem>>
          tpu.vector_store_idx %scatter3A_129[%add3A_114, %broadcast_in_dim3A_124], %broadcast_in_dim3A_116 masked %eq3A_110 : memref<128x64xf32, #tpu.memory_space<vmem>>[vector<16xi32>, vector<16xi32>], vector<16xf32>, vector<16xi1>
          %broadcast_in_dim3A_130 = arith.constant 2 : i32
          %broadcast_in_dim3A_131 = vector.broadcast %broadcast_in_dim3A_130 : i32 to vector<16xi32>
          %scatter3A_132 = arith.constant 0 : i32
          %scatter3A_133 = arith.constant 0 : i32
          %scatter3A_134 = arith.constant 0 : i32
          %scatter3A_135 = tpu.memref_slice %arg7[%scatter3A_132, %scatter3A_133, %scatter3A_134] : memref<2x128x64xf32, #tpu.memory_space<vmem>> -> memref<1x128x64xf32, #tpu.memory_space<vmem>>
          %scatter3A_136 = tpu.memref_squeeze %scatter3A_135 : memref<1x128x64xf32, #tpu.memory_space<vmem>> -> memref<128x64xf32, #tpu.memory_space<vmem>>
          tpu.vector_store_idx %scatter3A_136[%add3A_114, %broadcast_in_dim3A_131], %broadcast_in_dim3A_116 masked %eq3A_110 : memref<128x64xf32, #tpu.memory_space<vmem>>[vector<16xi32>, vector<16xi32>], vector<16xf32>, vector<16xi1>
          %broadcast_in_dim3A_137 = arith.constant 3 : i32
          %broadcast_in_dim3A_138 = vector.broadcast %broadcast_in_dim3A_137 : i32 to vector<16xi32>
          %scatter3A_139 = arith.constant 0 : i32
          %scatter3A_140 = arith.constant 0 : i32
          %scatter3A_141 = arith.constant 0 : i32
          %scatter3A_142 = tpu.memref_slice %arg7[%scatter3A_139, %scatter3A_140, %scatter3A_141] : memref<2x128x64xf32, #tpu.memory_space<vmem>> -> memref<1x128x64xf32, #tpu.memory_space<vmem>>
          %scatter3A_143 = tpu.memref_squeeze %scatter3A_142 : memref<1x128x64xf32, #tpu.memory_space<vmem>> -> memref<128x64xf32, #tpu.memory_space<vmem>>
          tpu.vector_store_idx %scatter3A_143[%add3A_114, %broadcast_in_dim3A_138], %broadcast_in_dim3A_116 masked %eq3A_110 : memref<128x64xf32, #tpu.memory_space<vmem>>[vector<16xi32>, vector<16xi32>], vector<16xf32>, vector<16xi1>
          %broadcast_in_dim3A_144 = arith.constant 4 : i32
          %broadcast_in_dim3A_145 = vector.broadcast %broadcast_in_dim3A_144 : i32 to vector<16xi32>
          %scatter3A_146 = arith.constant 0 : i32
          %scatter3A_147 = arith.constant 0 : i32
          %scatter3A_148 = arith.constant 0 : i32
          %scatter3A_149 = tpu.memref_slice %arg7[%scatter3A_146, %scatter3A_147, %scatter3A_148] : memref<2x128x64xf32, #tpu.memory_space<vmem>> -> memref<1x128x64xf32, #tpu.memory_space<vmem>>
          %scatter3A_150 = tpu.memref_squeeze %scatter3A_149 : memref<1x128x64xf32, #tpu.memory_space<vmem>> -> memref<128x64xf32, #tpu.memory_space<vmem>>
          tpu.vector_store_idx %scatter3A_150[%add3A_114, %broadcast_in_dim3A_145], %broadcast_in_dim3A_116 masked %eq3A_110 : memref<128x64xf32, #tpu.memory_space<vmem>>[vector<16xi32>, vector<16xi32>], vector<16xf32>, vector<16xi1>
          %broadcast_in_dim3A_151 = arith.constant 5 : i32
          %broadcast_in_dim3A_152 = vector.broadcast %broadcast_in_dim3A_151 : i32 to vector<16xi32>
          %scatter3A_153 = arith.constant 0 : i32
          %scatter3A_154 = arith.constant 0 : i32
          %scatter3A_155 = arith.constant 0 : i32
          %scatter3A_156 = tpu.memref_slice %arg7[%scatter3A_153, %scatter3A_154, %scatter3A_155] : memref<2x128x64xf32, #tpu.memory_space<vmem>> -> memref<1x128x64xf32, #tpu.memory_space<vmem>>
          %scatter3A_157 = tpu.memref_squeeze %scatter3A_156 : memref<1x128x64xf32, #tpu.memory_space<vmem>> -> memref<128x64xf32, #tpu.memory_space<vmem>>
          tpu.vector_store_idx %scatter3A_157[%add3A_114, %broadcast_in_dim3A_152], %broadcast_in_dim3A_116 masked %eq3A_110 : memref<128x64xf32, #tpu.memory_space<vmem>>[vector<16xi32>, vector<16xi32>], vector<16xf32>, vector<16xi1>
          %broadcast_in_dim3A_158 = arith.constant 6 : i32
          %broadcast_in_dim3A_159 = vector.broadcast %broadcast_in_dim3A_158 : i32 to vector<16xi32>
          %scatter3A_160 = arith.constant 0 : i32
          %scatter3A_161 = arith.constant 0 : i32
          %scatter3A_162 = arith.constant 0 : i32
          %scatter3A_163 = tpu.memref_slice %arg7[%scatter3A_160, %scatter3A_161, %scatter3A_162] : memref<2x128x64xf32, #tpu.memory_space<vmem>> -> memref<1x128x64xf32, #tpu.memory_space<vmem>>
          %scatter3A_164 = tpu.memref_squeeze %scatter3A_163 : memref<1x128x64xf32, #tpu.memory_space<vmem>> -> memref<128x64xf32, #tpu.memory_space<vmem>>
          tpu.vector_store_idx %scatter3A_164[%add3A_114, %broadcast_in_dim3A_159], %broadcast_in_dim3A_116 masked %eq3A_110 : memref<128x64xf32, #tpu.memory_space<vmem>>[vector<16xi32>, vector<16xi32>], vector<16xf32>, vector<16xi1>
          %broadcast_in_dim3A_165 = arith.constant 7 : i32
          %broadcast_in_dim3A_166 = vector.broadcast %broadcast_in_dim3A_165 : i32 to vector<16xi32>
          %scatter3A_167 = arith.constant 0 : i32
          %scatter3A_168 = arith.constant 0 : i32
          %scatter3A_169 = arith.constant 0 : i32
          %scatter3A_170 = tpu.memref_slice %arg7[%scatter3A_167, %scatter3A_168, %scatter3A_169] : memref<2x128x64xf32, #tpu.memory_space<vmem>> -> memref<1x128x64xf32, #tpu.memory_space<vmem>>
          %scatter3A_171 = tpu.memref_squeeze %scatter3A_170 : memref<1x128x64xf32, #tpu.memory_space<vmem>> -> memref<128x64xf32, #tpu.memory_space<vmem>>
          tpu.vector_store_idx %scatter3A_171[%add3A_114, %broadcast_in_dim3A_166], %broadcast_in_dim3A_116 masked %eq3A_110 : memref<128x64xf32, #tpu.memory_space<vmem>>[vector<16xi32>, vector<16xi32>], vector<16xf32>, vector<16xi1>
          %broadcast_in_dim3A_172 = arith.constant 8 : i32
          %broadcast_in_dim3A_173 = vector.broadcast %broadcast_in_dim3A_172 : i32 to vector<16xi32>
          %scatter3A_174 = arith.constant 0 : i32
          %scatter3A_175 = arith.constant 0 : i32
          %scatter3A_176 = arith.constant 0 : i32
          %scatter3A_177 = tpu.memref_slice %arg7[%scatter3A_174, %scatter3A_175, %scatter3A_176] : memref<2x128x64xf32, #tpu.memory_space<vmem>> -> memref<1x128x64xf32, #tpu.memory_space<vmem>>
          %scatter3A_178 = tpu.memref_squeeze %scatter3A_177 : memref<1x128x64xf32, #tpu.memory_space<vmem>> -> memref<128x64xf32, #tpu.memory_space<vmem>>
          tpu.vector_store_idx %scatter3A_178[%add3A_114, %broadcast_in_dim3A_173], %broadcast_in_dim3A_116 masked %eq3A_110 : memref<128x64xf32, #tpu.memory_space<vmem>>[vector<16xi32>, vector<16xi32>], vector<16xf32>, vector<16xi1>
          %broadcast_in_dim3A_179 = arith.constant 9 : i32
          %broadcast_in_dim3A_180 = vector.broadcast %broadcast_in_dim3A_179 : i32 to vector<16xi32>
          %scatter3A_181 = arith.constant 0 : i32
          %scatter3A_182 = arith.constant 0 : i32
          %scatter3A_183 = arith.constant 0 : i32
          %scatter3A_184 = tpu.memref_slice %arg7[%scatter3A_181, %scatter3A_182, %scatter3A_183] : memref<2x128x64xf32, #tpu.memory_space<vmem>> -> memref<1x128x64xf32, #tpu.memory_space<vmem>>
          %scatter3A_185 = tpu.memref_squeeze %scatter3A_184 : memref<1x128x64xf32, #tpu.memory_space<vmem>> -> memref<128x64xf32, #tpu.memory_space<vmem>>
          tpu.vector_store_idx %scatter3A_185[%add3A_114, %broadcast_in_dim3A_180], %broadcast_in_dim3A_116 masked %eq3A_110 : memref<128x64xf32, #tpu.memory_space<vmem>>[vector<16xi32>, vector<16xi32>], vector<16xf32>, vector<16xi1>
          %broadcast_in_dim3A_186 = arith.constant 10 : i32
          %broadcast_in_dim3A_187 = vector.broadcast %broadcast_in_dim3A_186 : i32 to vector<16xi32>
          %scatter3A_188 = arith.constant 0 : i32
          %scatter3A_189 = arith.constant 0 : i32
          %scatter3A_190 = arith.constant 0 : i32
          %scatter3A_191 = tpu.memref_slice %arg7[%scatter3A_188, %scatter3A_189, %scatter3A_190] : memref<2x128x64xf32, #tpu.memory_space<vmem>> -> memref<1x128x64xf32, #tpu.memory_space<vmem>>
          %scatter3A_192 = tpu.memref_squeeze %scatter3A_191 : memref<1x128x64xf32, #tpu.memory_space<vmem>> -> memref<128x64xf32, #tpu.memory_space<vmem>>
          tpu.vector_store_idx %scatter3A_192[%add3A_114, %broadcast_in_dim3A_187], %broadcast_in_dim3A_116 masked %eq3A_110 : memref<128x64xf32, #tpu.memory_space<vmem>>[vector<16xi32>, vector<16xi32>], vector<16xf32>, vector<16xi1>
          %broadcast_in_dim3A_193 = arith.constant 11 : i32
          %broadcast_in_dim3A_194 = vector.broadcast %broadcast_in_dim3A_193 : i32 to vector<16xi32>
          %scatter3A_195 = arith.constant 0 : i32
          %scatter3A_196 = arith.constant 0 : i32
          %scatter3A_197 = arith.constant 0 : i32
          %scatter3A_198 = tpu.memref_slice %arg7[%scatter3A_195, %scatter3A_196, %scatter3A_197] : memref<2x128x64xf32, #tpu.memory_space<vmem>> -> memref<1x128x64xf32, #tpu.memory_space<vmem>>
          %scatter3A_199 = tpu.memref_squeeze %scatter3A_198 : memref<1x128x64xf32, #tpu.memory_space<vmem>> -> memref<128x64xf32, #tpu.memory_space<vmem>>
          tpu.vector_store_idx %scatter3A_199[%add3A_114, %broadcast_in_dim3A_194], %broadcast_in_dim3A_116 masked %eq3A_110 : memref<128x64xf32, #tpu.memory_space<vmem>>[vector<16xi32>, vector<16xi32>], vector<16xf32>, vector<16xi1>
          %broadcast_in_dim3A_200 = arith.constant 12 : i32
          %broadcast_in_dim3A_201 = vector.broadcast %broadcast_in_dim3A_200 : i32 to vector<16xi32>
          %scatter3A_202 = arith.constant 0 : i32
          %scatter3A_203 = arith.constant 0 : i32
          %scatter3A_204 = arith.constant 0 : i32
          %scatter3A_205 = tpu.memref_slice %arg7[%scatter3A_202, %scatter3A_203, %scatter3A_204] : memref<2x128x64xf32, #tpu.memory_space<vmem>> -> memref<1x128x64xf32, #tpu.memory_space<vmem>>
          %scatter3A_206 = tpu.memref_squeeze %scatter3A_205 : memref<1x128x64xf32, #tpu.memory_space<vmem>> -> memref<128x64xf32, #tpu.memory_space<vmem>>
          tpu.vector_store_idx %scatter3A_206[%add3A_114, %broadcast_in_dim3A_201], %broadcast_in_dim3A_116 masked %eq3A_110 : memref<128x64xf32, #tpu.memory_space<vmem>>[vector<16xi32>, vector<16xi32>], vector<16xf32>, vector<16xi1>
          %broadcast_in_dim3A_207 = arith.constant 13 : i32
          %broadcast_in_dim3A_208 = vector.broadcast %broadcast_in_dim3A_207 : i32 to vector<16xi32>
          %scatter3A_209 = arith.constant 0 : i32
          %scatter3A_210 = arith.constant 0 : i32
          %scatter3A_211 = arith.constant 0 : i32
          %scatter3A_212 = tpu.memref_slice %arg7[%scatter3A_209, %scatter3A_210, %scatter3A_211] : memref<2x128x64xf32, #tpu.memory_space<vmem>> -> memref<1x128x64xf32, #tpu.memory_space<vmem>>
          %scatter3A_213 = tpu.memref_squeeze %scatter3A_212 : memref<1x128x64xf32, #tpu.memory_space<vmem>> -> memref<128x64xf32, #tpu.memory_space<vmem>>
          tpu.vector_store_idx %scatter3A_213[%add3A_114, %broadcast_in_dim3A_208], %broadcast_in_dim3A_116 masked %eq3A_110 : memref<128x64xf32, #tpu.memory_space<vmem>>[vector<16xi32>, vector<16xi32>], vector<16xf32>, vector<16xi1>
          %broadcast_in_dim3A_214 = arith.constant 14 : i32
          %broadcast_in_dim3A_215 = vector.broadcast %broadcast_in_dim3A_214 : i32 to vector<16xi32>
          %scatter3A_216 = arith.constant 0 : i32
          %scatter3A_217 = arith.constant 0 : i32
          %scatter3A_218 = arith.constant 0 : i32
          %scatter3A_219 = tpu.memref_slice %arg7[%scatter3A_216, %scatter3A_217, %scatter3A_218] : memref<2x128x64xf32, #tpu.memory_space<vmem>> -> memref<1x128x64xf32, #tpu.memory_space<vmem>>
          %scatter3A_220 = tpu.memref_squeeze %scatter3A_219 : memref<1x128x64xf32, #tpu.memory_space<vmem>> -> memref<128x64xf32, #tpu.memory_space<vmem>>
          tpu.vector_store_idx %scatter3A_220[%add3A_114, %broadcast_in_dim3A_215], %broadcast_in_dim3A_116 masked %eq3A_110 : memref<128x64xf32, #tpu.memory_space<vmem>>[vector<16xi32>, vector<16xi32>], vector<16xf32>, vector<16xi1>
          %broadcast_in_dim3A_221 = arith.constant 15 : i32
          %broadcast_in_dim3A_222 = vector.broadcast %broadcast_in_dim3A_221 : i32 to vector<16xi32>
          %scatter3A_223 = arith.constant 0 : i32
          %scatter3A_224 = arith.constant 0 : i32
          %scatter3A_225 = arith.constant 0 : i32
          %scatter3A_226 = tpu.memref_slice %arg7[%scatter3A_223, %scatter3A_224, %scatter3A_225] : memref<2x128x64xf32, #tpu.memory_space<vmem>> -> memref<1x128x64xf32, #tpu.memory_space<vmem>>
          %scatter3A_227 = tpu.memref_squeeze %scatter3A_226 : memref<1x128x64xf32, #tpu.memory_space<vmem>> -> memref<128x64xf32, #tpu.memory_space<vmem>>
          tpu.vector_store_idx %scatter3A_227[%add3A_114, %broadcast_in_dim3A_222], %broadcast_in_dim3A_116 masked %eq3A_110 : memref<128x64xf32, #tpu.memory_space<vmem>>[vector<16xi32>, vector<16xi32>], vector<16xf32>, vector<16xi1>
          %broadcast_in_dim3A_228 = arith.constant 16 : i32
          %broadcast_in_dim3A_229 = vector.broadcast %broadcast_in_dim3A_228 : i32 to vector<16xi32>
          %scatter3A_230 = arith.constant 0 : i32
          %scatter3A_231 = arith.constant 0 : i32
          %scatter3A_232 = arith.constant 0 : i32
          %scatter3A_233 = tpu.memref_slice %arg7[%scatter3A_230, %scatter3A_231, %scatter3A_232] : memref<2x128x64xf32, #tpu.memory_space<vmem>> -> memref<1x128x64xf32, #tpu.memory_space<vmem>>
          %scatter3A_234 = tpu.memref_squeeze %scatter3A_233 : memref<1x128x64xf32, #tpu.memory_space<vmem>> -> memref<128x64xf32, #tpu.memory_space<vmem>>
          tpu.vector_store_idx %scatter3A_234[%add3A_114, %broadcast_in_dim3A_229], %broadcast_in_dim3A_116 masked %eq3A_110 : memref<128x64xf32, #tpu.memory_space<vmem>>[vector<16xi32>, vector<16xi32>], vector<16xf32>, vector<16xi1>
          %broadcast_in_dim3A_235 = arith.constant 17 : i32
          %broadcast_in_dim3A_236 = vector.broadcast %broadcast_in_dim3A_235 : i32 to vector<16xi32>
          %scatter3A_237 = arith.constant 0 : i32
          %scatter3A_238 = arith.constant 0 : i32
          %scatter3A_239 = arith.constant 0 : i32
          %scatter3A_240 = tpu.memref_slice %arg7[%scatter3A_237, %scatter3A_238, %scatter3A_239] : memref<2x128x64xf32, #tpu.memory_space<vmem>> -> memref<1x128x64xf32, #tpu.memory_space<vmem>>
          %scatter3A_241 = tpu.memref_squeeze %scatter3A_240 : memref<1x128x64xf32, #tpu.memory_space<vmem>> -> memref<128x64xf32, #tpu.memory_space<vmem>>
          tpu.vector_store_idx %scatter3A_241[%add3A_114, %broadcast_in_dim3A_236], %broadcast_in_dim3A_116 masked %eq3A_110 : memref<128x64xf32, #tpu.memory_space<vmem>>[vector<16xi32>, vector<16xi32>], vector<16xf32>, vector<16xi1>
          %broadcast_in_dim3A_242 = arith.constant 18 : i32
          %broadcast_in_dim3A_243 = vector.broadcast %broadcast_in_dim3A_242 : i32 to vector<16xi32>
          %scatter3A_244 = arith.constant 0 : i32
          %scatter3A_245 = arith.constant 0 : i32
          %scatter3A_246 = arith.constant 0 : i32
          %scatter3A_247 = tpu.memref_slice %arg7[%scatter3A_244, %scatter3A_245, %scatter3A_246] : memref<2x128x64xf32, #tpu.memory_space<vmem>> -> memref<1x128x64xf32, #tpu.memory_space<vmem>>
          %scatter3A_248 = tpu.memref_squeeze %scatter3A_247 : memref<1x128x64xf32, #tpu.memory_space<vmem>> -> memref<128x64xf32, #tpu.memory_space<vmem>>
          tpu.vector_store_idx %scatter3A_248[%add3A_114, %broadcast_in_dim3A_243], %broadcast_in_dim3A_116 masked %eq3A_110 : memref<128x64xf32, #tpu.memory_space<vmem>>[vector<16xi32>, vector<16xi32>], vector<16xf32>, vector<16xi1>
          %broadcast_in_dim3A_249 = arith.constant 19 : i32
          %broadcast_in_dim3A_250 = vector.broadcast %broadcast_in_dim3A_249 : i32 to vector<16xi32>
          %scatter3A_251 = arith.constant 0 : i32
          %scatter3A_252 = arith.constant 0 : i32
          %scatter3A_253 = arith.constant 0 : i32
          %scatter3A_254 = tpu.memref_slice %arg7[%scatter3A_251, %scatter3A_252, %scatter3A_253] : memref<2x128x64xf32, #tpu.memory_space<vmem>> -> memref<1x128x64xf32, #tpu.memory_space<vmem>>
          %scatter3A_255 = tpu.memref_squeeze %scatter3A_254 : memref<1x128x64xf32, #tpu.memory_space<vmem>> -> memref<128x64xf32, #tpu.memory_space<vmem>>
          tpu.vector_store_idx %scatter3A_255[%add3A_114, %broadcast_in_dim3A_250], %broadcast_in_dim3A_116 masked %eq3A_110 : memref<128x64xf32, #tpu.memory_space<vmem>>[vector<16xi32>, vector<16xi32>], vector<16xf32>, vector<16xi1>
          %broadcast_in_dim3A_256 = arith.constant 20 : i32
          %broadcast_in_dim3A_257 = vector.broadcast %broadcast_in_dim3A_256 : i32 to vector<16xi32>
          %scatter3A_258 = arith.constant 0 : i32
          %scatter3A_259 = arith.constant 0 : i32
          %scatter3A_260 = arith.constant 0 : i32
          %scatter3A_261 = tpu.memref_slice %arg7[%scatter3A_258, %scatter3A_259, %scatter3A_260] : memref<2x128x64xf32, #tpu.memory_space<vmem>> -> memref<1x128x64xf32, #tpu.memory_space<vmem>>
          %scatter3A_262 = tpu.memref_squeeze %scatter3A_261 : memref<1x128x64xf32, #tpu.memory_space<vmem>> -> memref<128x64xf32, #tpu.memory_space<vmem>>
          tpu.vector_store_idx %scatter3A_262[%add3A_114, %broadcast_in_dim3A_257], %broadcast_in_dim3A_116 masked %eq3A_110 : memref<128x64xf32, #tpu.memory_space<vmem>>[vector<16xi32>, vector<16xi32>], vector<16xf32>, vector<16xi1>
          %broadcast_in_dim3A_263 = arith.constant 21 : i32
          %broadcast_in_dim3A_264 = vector.broadcast %broadcast_in_dim3A_263 : i32 to vector<16xi32>
          %scatter3A_265 = arith.constant 0 : i32
          %scatter3A_266 = arith.constant 0 : i32
          %scatter3A_267 = arith.constant 0 : i32
          %scatter3A_268 = tpu.memref_slice %arg7[%scatter3A_265, %scatter3A_266, %scatter3A_267] : memref<2x128x64xf32, #tpu.memory_space<vmem>> -> memref<1x128x64xf32, #tpu.memory_space<vmem>>
          %scatter3A_269 = tpu.memref_squeeze %scatter3A_268 : memref<1x128x64xf32, #tpu.memory_space<vmem>> -> memref<128x64xf32, #tpu.memory_space<vmem>>
          tpu.vector_store_idx %scatter3A_269[%add3A_114, %broadcast_in_dim3A_264], %broadcast_in_dim3A_116 masked %eq3A_110 : memref<128x64xf32, #tpu.memory_space<vmem>>[vector<16xi32>, vector<16xi32>], vector<16xf32>, vector<16xi1>
          %broadcast_in_dim3A_270 = arith.constant 22 : i32
          %broadcast_in_dim3A_271 = vector.broadcast %broadcast_in_dim3A_270 : i32 to vector<16xi32>
          %scatter3A_272 = arith.constant 0 : i32
          %scatter3A_273 = arith.constant 0 : i32
          %scatter3A_274 = arith.constant 0 : i32
          %scatter3A_275 = tpu.memref_slice %arg7[%scatter3A_272, %scatter3A_273, %scatter3A_274] : memref<2x128x64xf32, #tpu.memory_space<vmem>> -> memref<1x128x64xf32, #tpu.memory_space<vmem>>
          %scatter3A_276 = tpu.memref_squeeze %scatter3A_275 : memref<1x128x64xf32, #tpu.memory_space<vmem>> -> memref<128x64xf32, #tpu.memory_space<vmem>>
          tpu.vector_store_idx %scatter3A_276[%add3A_114, %broadcast_in_dim3A_271], %broadcast_in_dim3A_116 masked %eq3A_110 : memref<128x64xf32, #tpu.memory_space<vmem>>[vector<16xi32>, vector<16xi32>], vector<16xf32>, vector<16xi1>
          %broadcast_in_dim3A_277 = arith.constant 23 : i32
          %broadcast_in_dim3A_278 = vector.broadcast %broadcast_in_dim3A_277 : i32 to vector<16xi32>
          %scatter3A_279 = arith.constant 0 : i32
          %scatter3A_280 = arith.constant 0 : i32
          %scatter3A_281 = arith.constant 0 : i32
          %scatter3A_282 = tpu.memref_slice %arg7[%scatter3A_279, %scatter3A_280, %scatter3A_281] : memref<2x128x64xf32, #tpu.memory_space<vmem>> -> memref<1x128x64xf32, #tpu.memory_space<vmem>>
          %scatter3A_283 = tpu.memref_squeeze %scatter3A_282 : memref<1x128x64xf32, #tpu.memory_space<vmem>> -> memref<128x64xf32, #tpu.memory_space<vmem>>
          tpu.vector_store_idx %scatter3A_283[%add3A_114, %broadcast_in_dim3A_278], %broadcast_in_dim3A_116 masked %eq3A_110 : memref<128x64xf32, #tpu.memory_space<vmem>>[vector<16xi32>, vector<16xi32>], vector<16xf32>, vector<16xi1>
          %broadcast_in_dim3A_284 = arith.constant 24 : i32
          %broadcast_in_dim3A_285 = vector.broadcast %broadcast_in_dim3A_284 : i32 to vector<16xi32>
          %scatter3A_286 = arith.constant 0 : i32
          %scatter3A_287 = arith.constant 0 : i32
          %scatter3A_288 = arith.constant 0 : i32
          %scatter3A_289 = tpu.memref_slice %arg7[%scatter3A_286, %scatter3A_287, %scatter3A_288] : memref<2x128x64xf32, #tpu.memory_space<vmem>> -> memref<1x128x64xf32, #tpu.memory_space<vmem>>
          %scatter3A_290 = tpu.memref_squeeze %scatter3A_289 : memref<1x128x64xf32, #tpu.memory_space<vmem>> -> memref<128x64xf32, #tpu.memory_space<vmem>>
          tpu.vector_store_idx %scatter3A_290[%add3A_114, %broadcast_in_dim3A_285], %broadcast_in_dim3A_116 masked %eq3A_110 : memref<128x64xf32, #tpu.memory_space<vmem>>[vector<16xi32>, vector<16xi32>], vector<16xf32>, vector<16xi1>
          %broadcast_in_dim3A_291 = arith.constant 25 : i32
          %broadcast_in_dim3A_292 = vector.broadcast %broadcast_in_dim3A_291 : i32 to vector<16xi32>
          %scatter3A_293 = arith.constant 0 : i32
          %scatter3A_294 = arith.constant 0 : i32
          %scatter3A_295 = arith.constant 0 : i32
          %scatter3A_296 = tpu.memref_slice %arg7[%scatter3A_293, %scatter3A_294, %scatter3A_295] : memref<2x128x64xf32, #tpu.memory_space<vmem>> -> memref<1x128x64xf32, #tpu.memory_space<vmem>>
          %scatter3A_297 = tpu.memref_squeeze %scatter3A_296 : memref<1x128x64xf32, #tpu.memory_space<vmem>> -> memref<128x64xf32, #tpu.memory_space<vmem>>
          tpu.vector_store_idx %scatter3A_297[%add3A_114, %broadcast_in_dim3A_292], %broadcast_in_dim3A_116 masked %eq3A_110 : memref<128x64xf32, #tpu.memory_space<vmem>>[vector<16xi32>, vector<16xi32>], vector<16xf32>, vector<16xi1>
          %broadcast_in_dim3A_298 = arith.constant 26 : i32
          %broadcast_in_dim3A_299 = vector.broadcast %broadcast_in_dim3A_298 : i32 to vector<16xi32>
          %scatter3A_300 = arith.constant 0 : i32
          %scatter3A_301 = arith.constant 0 : i32
          %scatter3A_302 = arith.constant 0 : i32
          %scatter3A_303 = tpu.memref_slice %arg7[%scatter3A_300, %scatter3A_301, %scatter3A_302] : memref<2x128x64xf32, #tpu.memory_space<vmem>> -> memref<1x128x64xf32, #tpu.memory_space<vmem>>
          %scatter3A_304 = tpu.memref_squeeze %scatter3A_303 : memref<1x128x64xf32, #tpu.memory_space<vmem>> -> memref<128x64xf32, #tpu.memory_space<vmem>>
          tpu.vector_store_idx %scatter3A_304[%add3A_114, %broadcast_in_dim3A_299], %broadcast_in_dim3A_116 masked %eq3A_110 : memref<128x64xf32, #tpu.memory_space<vmem>>[vector<16xi32>, vector<16xi32>], vector<16xf32>, vector<16xi1>
          %broadcast_in_dim3A_305 = arith.constant 27 : i32
          %broadcast_in_dim3A_306 = vector.broadcast %broadcast_in_dim3A_305 : i32 to vector<16xi32>
          %scatter3A_307 = arith.constant 0 : i32
          %scatter3A_308 = arith.constant 0 : i32
          %scatter3A_309 = arith.constant 0 : i32
          %scatter3A_310 = tpu.memref_slice %arg7[%scatter3A_307, %scatter3A_308, %scatter3A_309] : memref<2x128x64xf32, #tpu.memory_space<vmem>> -> memref<1x128x64xf32, #tpu.memory_space<vmem>>
          %scatter3A_311 = tpu.memref_squeeze %scatter3A_310 : memref<1x128x64xf32, #tpu.memory_space<vmem>> -> memref<128x64xf32, #tpu.memory_space<vmem>>
          tpu.vector_store_idx %scatter3A_311[%add3A_114, %broadcast_in_dim3A_306], %broadcast_in_dim3A_116 masked %eq3A_110 : memref<128x64xf32, #tpu.memory_space<vmem>>[vector<16xi32>, vector<16xi32>], vector<16xf32>, vector<16xi1>
          %broadcast_in_dim3A_312 = arith.constant 28 : i32
          %broadcast_in_dim3A_313 = vector.broadcast %broadcast_in_dim3A_312 : i32 to vector<16xi32>
          %scatter3A_314 = arith.constant 0 : i32
          %scatter3A_315 = arith.constant 0 : i32
          %scatter3A_316 = arith.constant 0 : i32
          %scatter3A_317 = tpu.memref_slice %arg7[%scatter3A_314, %scatter3A_315, %scatter3A_316] : memref<2x128x64xf32, #tpu.memory_space<vmem>> -> memref<1x128x64xf32, #tpu.memory_space<vmem>>
          %scatter3A_318 = tpu.memref_squeeze %scatter3A_317 : memref<1x128x64xf32, #tpu.memory_space<vmem>> -> memref<128x64xf32, #tpu.memory_space<vmem>>
          tpu.vector_store_idx %scatter3A_318[%add3A_114, %broadcast_in_dim3A_313], %broadcast_in_dim3A_116 masked %eq3A_110 : memref<128x64xf32, #tpu.memory_space<vmem>>[vector<16xi32>, vector<16xi32>], vector<16xf32>, vector<16xi1>
          %broadcast_in_dim3A_319 = arith.constant 29 : i32
          %broadcast_in_dim3A_320 = vector.broadcast %broadcast_in_dim3A_319 : i32 to vector<16xi32>
          %scatter3A_321 = arith.constant 0 : i32
          %scatter3A_322 = arith.constant 0 : i32
          %scatter3A_323 = arith.constant 0 : i32
          %scatter3A_324 = tpu.memref_slice %arg7[%scatter3A_321, %scatter3A_322, %scatter3A_323] : memref<2x128x64xf32, #tpu.memory_space<vmem>> -> memref<1x128x64xf32, #tpu.memory_space<vmem>>
          %scatter3A_325 = tpu.memref_squeeze %scatter3A_324 : memref<1x128x64xf32, #tpu.memory_space<vmem>> -> memref<128x64xf32, #tpu.memory_space<vmem>>
          tpu.vector_store_idx %scatter3A_325[%add3A_114, %broadcast_in_dim3A_320], %broadcast_in_dim3A_116 masked %eq3A_110 : memref<128x64xf32, #tpu.memory_space<vmem>>[vector<16xi32>, vector<16xi32>], vector<16xf32>, vector<16xi1>
          %broadcast_in_dim3A_326 = arith.constant 30 : i32
          %broadcast_in_dim3A_327 = vector.broadcast %broadcast_in_dim3A_326 : i32 to vector<16xi32>
          %scatter3A_328 = arith.constant 0 : i32
          %scatter3A_329 = arith.constant 0 : i32
          %scatter3A_330 = arith.constant 0 : i32
          %scatter3A_331 = tpu.memref_slice %arg7[%scatter3A_328, %scatter3A_329, %scatter3A_330] : memref<2x128x64xf32, #tpu.memory_space<vmem>> -> memref<1x128x64xf32, #tpu.memory_space<vmem>>
          %scatter3A_332 = tpu.memref_squeeze %scatter3A_331 : memref<1x128x64xf32, #tpu.memory_space<vmem>> -> memref<128x64xf32, #tpu.memory_space<vmem>>
          tpu.vector_store_idx %scatter3A_332[%add3A_114, %broadcast_in_dim3A_327], %broadcast_in_dim3A_116 masked %eq3A_110 : memref<128x64xf32, #tpu.memory_space<vmem>>[vector<16xi32>, vector<16xi32>], vector<16xf32>, vector<16xi1>
          %broadcast_in_dim3A_333 = arith.constant 31 : i32
          %broadcast_in_dim3A_334 = vector.broadcast %broadcast_in_dim3A_333 : i32 to vector<16xi32>
          %scatter3A_335 = arith.constant 0 : i32
          %scatter3A_336 = arith.constant 0 : i32
          %scatter3A_337 = arith.constant 0 : i32
          %scatter3A_338 = tpu.memref_slice %arg7[%scatter3A_335, %scatter3A_336, %scatter3A_337] : memref<2x128x64xf32, #tpu.memory_space<vmem>> -> memref<1x128x64xf32, #tpu.memory_space<vmem>>
          %scatter3A_339 = tpu.memref_squeeze %scatter3A_338 : memref<1x128x64xf32, #tpu.memory_space<vmem>> -> memref<128x64xf32, #tpu.memory_space<vmem>>
          tpu.vector_store_idx %scatter3A_339[%add3A_114, %broadcast_in_dim3A_334], %broadcast_in_dim3A_116 masked %eq3A_110 : memref<128x64xf32, #tpu.memory_space<vmem>>[vector<16xi32>, vector<16xi32>], vector<16xf32>, vector<16xi1>
          %broadcast_in_dim3A_340 = arith.constant 32 : i32
          %broadcast_in_dim3A_341 = vector.broadcast %broadcast_in_dim3A_340 : i32 to vector<16xi32>
          %scatter3A_342 = arith.constant 0 : i32
          %scatter3A_343 = arith.constant 0 : i32
          %scatter3A_344 = arith.constant 0 : i32
          %scatter3A_345 = tpu.memref_slice %arg7[%scatter3A_342, %scatter3A_343, %scatter3A_344] : memref<2x128x64xf32, #tpu.memory_space<vmem>> -> memref<1x128x64xf32, #tpu.memory_space<vmem>>
          %scatter3A_346 = tpu.memref_squeeze %scatter3A_345 : memref<1x128x64xf32, #tpu.memory_space<vmem>> -> memref<128x64xf32, #tpu.memory_space<vmem>>
          tpu.vector_store_idx %scatter3A_346[%add3A_114, %broadcast_in_dim3A_341], %broadcast_in_dim3A_116 masked %eq3A_110 : memref<128x64xf32, #tpu.memory_space<vmem>>[vector<16xi32>, vector<16xi32>], vector<16xf32>, vector<16xi1>
          %broadcast_in_dim3A_347 = arith.constant 33 : i32
          %broadcast_in_dim3A_348 = vector.broadcast %broadcast_in_dim3A_347 : i32 to vector<16xi32>
          %scatter3A_349 = arith.constant 0 : i32
          %scatter3A_350 = arith.constant 0 : i32
          %scatter3A_351 = arith.constant 0 : i32
          %scatter3A_352 = tpu.memref_slice %arg7[%scatter3A_349, %scatter3A_350, %scatter3A_351] : memref<2x128x64xf32, #tpu.memory_space<vmem>> -> memref<1x128x64xf32, #tpu.memory_space<vmem>>
          %scatter3A_353 = tpu.memref_squeeze %scatter3A_352 : memref<1x128x64xf32, #tpu.memory_space<vmem>> -> memref<128x64xf32, #tpu.memory_space<vmem>>
          tpu.vector_store_idx %scatter3A_353[%add3A_114, %broadcast_in_dim3A_348], %broadcast_in_dim3A_116 masked %eq3A_110 : memref<128x64xf32, #tpu.memory_space<vmem>>[vector<16xi32>, vector<16xi32>], vector<16xf32>, vector<16xi1>
          %broadcast_in_dim3A_354 = arith.constant 34 : i32
          %broadcast_in_dim3A_355 = vector.broadcast %broadcast_in_dim3A_354 : i32 to vector<16xi32>
          %scatter3A_356 = arith.constant 0 : i32
          %scatter3A_357 = arith.constant 0 : i32
          %scatter3A_358 = arith.constant 0 : i32
          %scatter3A_359 = tpu.memref_slice %arg7[%scatter3A_356, %scatter3A_357, %scatter3A_358] : memref<2x128x64xf32, #tpu.memory_space<vmem>> -> memref<1x128x64xf32, #tpu.memory_space<vmem>>
          %scatter3A_360 = tpu.memref_squeeze %scatter3A_359 : memref<1x128x64xf32, #tpu.memory_space<vmem>> -> memref<128x64xf32, #tpu.memory_space<vmem>>
          tpu.vector_store_idx %scatter3A_360[%add3A_114, %broadcast_in_dim3A_355], %broadcast_in_dim3A_116 masked %eq3A_110 : memref<128x64xf32, #tpu.memory_space<vmem>>[vector<16xi32>, vector<16xi32>], vector<16xf32>, vector<16xi1>
          %broadcast_in_dim3A_361 = arith.constant 35 : i32
          %broadcast_in_dim3A_362 = vector.broadcast %broadcast_in_dim3A_361 : i32 to vector<16xi32>
          %scatter3A_363 = arith.constant 0 : i32
          %scatter3A_364 = arith.constant 0 : i32
          %scatter3A_365 = arith.constant 0 : i32
          %scatter3A_366 = tpu.memref_slice %arg7[%scatter3A_363, %scatter3A_364, %scatter3A_365] : memref<2x128x64xf32, #tpu.memory_space<vmem>> -> memref<1x128x64xf32, #tpu.memory_space<vmem>>
          %scatter3A_367 = tpu.memref_squeeze %scatter3A_366 : memref<1x128x64xf32, #tpu.memory_space<vmem>> -> memref<128x64xf32, #tpu.memory_space<vmem>>
          tpu.vector_store_idx %scatter3A_367[%add3A_114, %broadcast_in_dim3A_362], %broadcast_in_dim3A_116 masked %eq3A_110 : memref<128x64xf32, #tpu.memory_space<vmem>>[vector<16xi32>, vector<16xi32>], vector<16xf32>, vector<16xi1>
          %broadcast_in_dim3A_368 = arith.constant 36 : i32
          %broadcast_in_dim3A_369 = vector.broadcast %broadcast_in_dim3A_368 : i32 to vector<16xi32>
          %scatter3A_370 = arith.constant 0 : i32
          %scatter3A_371 = arith.constant 0 : i32
          %scatter3A_372 = arith.constant 0 : i32
          %scatter3A_373 = tpu.memref_slice %arg7[%scatter3A_370, %scatter3A_371, %scatter3A_372] : memref<2x128x64xf32, #tpu.memory_space<vmem>> -> memref<1x128x64xf32, #tpu.memory_space<vmem>>
          %scatter3A_374 = tpu.memref_squeeze %scatter3A_373 : memref<1x128x64xf32, #tpu.memory_space<vmem>> -> memref<128x64xf32, #tpu.memory_space<vmem>>
          tpu.vector_store_idx %scatter3A_374[%add3A_114, %broadcast_in_dim3A_369], %broadcast_in_dim3A_116 masked %eq3A_110 : memref<128x64xf32, #tpu.memory_space<vmem>>[vector<16xi32>, vector<16xi32>], vector<16xf32>, vector<16xi1>
          %broadcast_in_dim3A_375 = arith.constant 37 : i32
          %broadcast_in_dim3A_376 = vector.broadcast %broadcast_in_dim3A_375 : i32 to vector<16xi32>
          %scatter3A_377 = arith.constant 0 : i32
          %scatter3A_378 = arith.constant 0 : i32
          %scatter3A_379 = arith.constant 0 : i32
          %scatter3A_380 = tpu.memref_slice %arg7[%scatter3A_377, %scatter3A_378, %scatter3A_379] : memref<2x128x64xf32, #tpu.memory_space<vmem>> -> memref<1x128x64xf32, #tpu.memory_space<vmem>>
          %scatter3A_381 = tpu.memref_squeeze %scatter3A_380 : memref<1x128x64xf32, #tpu.memory_space<vmem>> -> memref<128x64xf32, #tpu.memory_space<vmem>>
          tpu.vector_store_idx %scatter3A_381[%add3A_114, %broadcast_in_dim3A_376], %broadcast_in_dim3A_116 masked %eq3A_110 : memref<128x64xf32, #tpu.memory_space<vmem>>[vector<16xi32>, vector<16xi32>], vector<16xf32>, vector<16xi1>
          %broadcast_in_dim3A_382 = arith.constant 38 : i32
          %broadcast_in_dim3A_383 = vector.broadcast %broadcast_in_dim3A_382 : i32 to vector<16xi32>
          %scatter3A_384 = arith.constant 0 : i32
          %scatter3A_385 = arith.constant 0 : i32
          %scatter3A_386 = arith.constant 0 : i32
          %scatter3A_387 = tpu.memref_slice %arg7[%scatter3A_384, %scatter3A_385, %scatter3A_386] : memref<2x128x64xf32, #tpu.memory_space<vmem>> -> memref<1x128x64xf32, #tpu.memory_space<vmem>>
          %scatter3A_388 = tpu.memref_squeeze %scatter3A_387 : memref<1x128x64xf32, #tpu.memory_space<vmem>> -> memref<128x64xf32, #tpu.memory_space<vmem>>
          tpu.vector_store_idx %scatter3A_388[%add3A_114, %broadcast_in_dim3A_383], %broadcast_in_dim3A_116 masked %eq3A_110 : memref<128x64xf32, #tpu.memory_space<vmem>>[vector<16xi32>, vector<16xi32>], vector<16xf32>, vector<16xi1>
          %broadcast_in_dim3A_389 = arith.constant 39 : i32
          %broadcast_in_dim3A_390 = vector.broadcast %broadcast_in_dim3A_389 : i32 to vector<16xi32>
          %scatter3A_391 = arith.constant 0 : i32
          %scatter3A_392 = arith.constant 0 : i32
          %scatter3A_393 = arith.constant 0 : i32
          %scatter3A_394 = tpu.memref_slice %arg7[%scatter3A_391, %scatter3A_392, %scatter3A_393] : memref<2x128x64xf32, #tpu.memory_space<vmem>> -> memref<1x128x64xf32, #tpu.memory_space<vmem>>
          %scatter3A_395 = tpu.memref_squeeze %scatter3A_394 : memref<1x128x64xf32, #tpu.memory_space<vmem>> -> memref<128x64xf32, #tpu.memory_space<vmem>>
          tpu.vector_store_idx %scatter3A_395[%add3A_114, %broadcast_in_dim3A_390], %broadcast_in_dim3A_116 masked %eq3A_110 : memref<128x64xf32, #tpu.memory_space<vmem>>[vector<16xi32>, vector<16xi32>], vector<16xf32>, vector<16xi1>
          %broadcast_in_dim3A_396 = arith.constant 40 : i32
          %broadcast_in_dim3A_397 = vector.broadcast %broadcast_in_dim3A_396 : i32 to vector<16xi32>
          %scatter3A_398 = arith.constant 0 : i32
          %scatter3A_399 = arith.constant 0 : i32
          %scatter3A_400 = arith.constant 0 : i32
          %scatter3A_401 = tpu.memref_slice %arg7[%scatter3A_398, %scatter3A_399, %scatter3A_400] : memref<2x128x64xf32, #tpu.memory_space<vmem>> -> memref<1x128x64xf32, #tpu.memory_space<vmem>>
          %scatter3A_402 = tpu.memref_squeeze %scatter3A_401 : memref<1x128x64xf32, #tpu.memory_space<vmem>> -> memref<128x64xf32, #tpu.memory_space<vmem>>
          tpu.vector_store_idx %scatter3A_402[%add3A_114, %broadcast_in_dim3A_397], %broadcast_in_dim3A_116 masked %eq3A_110 : memref<128x64xf32, #tpu.memory_space<vmem>>[vector<16xi32>, vector<16xi32>], vector<16xf32>, vector<16xi1>
          %broadcast_in_dim3A_403 = arith.constant 41 : i32
          %broadcast_in_dim3A_404 = vector.broadcast %broadcast_in_dim3A_403 : i32 to vector<16xi32>
          %scatter3A_405 = arith.constant 0 : i32
          %scatter3A_406 = arith.constant 0 : i32
          %scatter3A_407 = arith.constant 0 : i32
          %scatter3A_408 = tpu.memref_slice %arg7[%scatter3A_405, %scatter3A_406, %scatter3A_407] : memref<2x128x64xf32, #tpu.memory_space<vmem>> -> memref<1x128x64xf32, #tpu.memory_space<vmem>>
          %scatter3A_409 = tpu.memref_squeeze %scatter3A_408 : memref<1x128x64xf32, #tpu.memory_space<vmem>> -> memref<128x64xf32, #tpu.memory_space<vmem>>
          tpu.vector_store_idx %scatter3A_409[%add3A_114, %broadcast_in_dim3A_404], %broadcast_in_dim3A_116 masked %eq3A_110 : memref<128x64xf32, #tpu.memory_space<vmem>>[vector<16xi32>, vector<16xi32>], vector<16xf32>, vector<16xi1>
          %broadcast_in_dim3A_410 = arith.constant 42 : i32
          %broadcast_in_dim3A_411 = vector.broadcast %broadcast_in_dim3A_410 : i32 to vector<16xi32>
          %scatter3A_412 = arith.constant 0 : i32
          %scatter3A_413 = arith.constant 0 : i32
          %scatter3A_414 = arith.constant 0 : i32
          %scatter3A_415 = tpu.memref_slice %arg7[%scatter3A_412, %scatter3A_413, %scatter3A_414] : memref<2x128x64xf32, #tpu.memory_space<vmem>> -> memref<1x128x64xf32, #tpu.memory_space<vmem>>
          %scatter3A_416 = tpu.memref_squeeze %scatter3A_415 : memref<1x128x64xf32, #tpu.memory_space<vmem>> -> memref<128x64xf32, #tpu.memory_space<vmem>>
          tpu.vector_store_idx %scatter3A_416[%add3A_114, %broadcast_in_dim3A_411], %broadcast_in_dim3A_116 masked %eq3A_110 : memref<128x64xf32, #tpu.memory_space<vmem>>[vector<16xi32>, vector<16xi32>], vector<16xf32>, vector<16xi1>
          %broadcast_in_dim3A_417 = arith.constant 43 : i32
          %broadcast_in_dim3A_418 = vector.broadcast %broadcast_in_dim3A_417 : i32 to vector<16xi32>
          %scatter3A_419 = arith.constant 0 : i32
          %scatter3A_420 = arith.constant 0 : i32
          %scatter3A_421 = arith.constant 0 : i32
          %scatter3A_422 = tpu.memref_slice %arg7[%scatter3A_419, %scatter3A_420, %scatter3A_421] : memref<2x128x64xf32, #tpu.memory_space<vmem>> -> memref<1x128x64xf32, #tpu.memory_space<vmem>>
          %scatter3A_423 = tpu.memref_squeeze %scatter3A_422 : memref<1x128x64xf32, #tpu.memory_space<vmem>> -> memref<128x64xf32, #tpu.memory_space<vmem>>
          tpu.vector_store_idx %scatter3A_423[%add3A_114, %broadcast_in_dim3A_418], %broadcast_in_dim3A_116 masked %eq3A_110 : memref<128x64xf32, #tpu.memory_space<vmem>>[vector<16xi32>, vector<16xi32>], vector<16xf32>, vector<16xi1>
          %broadcast_in_dim3A_424 = arith.constant 44 : i32
          %broadcast_in_dim3A_425 = vector.broadcast %broadcast_in_dim3A_424 : i32 to vector<16xi32>
          %scatter3A_426 = arith.constant 0 : i32
          %scatter3A_427 = arith.constant 0 : i32
          %scatter3A_428 = arith.constant 0 : i32
          %scatter3A_429 = tpu.memref_slice %arg7[%scatter3A_426, %scatter3A_427, %scatter3A_428] : memref<2x128x64xf32, #tpu.memory_space<vmem>> -> memref<1x128x64xf32, #tpu.memory_space<vmem>>
          %scatter3A_430 = tpu.memref_squeeze %scatter3A_429 : memref<1x128x64xf32, #tpu.memory_space<vmem>> -> memref<128x64xf32, #tpu.memory_space<vmem>>
          tpu.vector_store_idx %scatter3A_430[%add3A_114, %broadcast_in_dim3A_425], %broadcast_in_dim3A_116 masked %eq3A_110 : memref<128x64xf32, #tpu.memory_space<vmem>>[vector<16xi32>, vector<16xi32>], vector<16xf32>, vector<16xi1>
          %broadcast_in_dim3A_431 = arith.constant 45 : i32
          %broadcast_in_dim3A_432 = vector.broadcast %broadcast_in_dim3A_431 : i32 to vector<16xi32>
          %scatter3A_433 = arith.constant 0 : i32
          %scatter3A_434 = arith.constant 0 : i32
          %scatter3A_435 = arith.constant 0 : i32
          %scatter3A_436 = tpu.memref_slice %arg7[%scatter3A_433, %scatter3A_434, %scatter3A_435] : memref<2x128x64xf32, #tpu.memory_space<vmem>> -> memref<1x128x64xf32, #tpu.memory_space<vmem>>
          %scatter3A_437 = tpu.memref_squeeze %scatter3A_436 : memref<1x128x64xf32, #tpu.memory_space<vmem>> -> memref<128x64xf32, #tpu.memory_space<vmem>>
          tpu.vector_store_idx %scatter3A_437[%add3A_114, %broadcast_in_dim3A_432], %broadcast_in_dim3A_116 masked %eq3A_110 : memref<128x64xf32, #tpu.memory_space<vmem>>[vector<16xi32>, vector<16xi32>], vector<16xf32>, vector<16xi1>
          %broadcast_in_dim3A_438 = arith.constant 46 : i32
          %broadcast_in_dim3A_439 = vector.broadcast %broadcast_in_dim3A_438 : i32 to vector<16xi32>
          %scatter3A_440 = arith.constant 0 : i32
          %scatter3A_441 = arith.constant 0 : i32
          %scatter3A_442 = arith.constant 0 : i32
          %scatter3A_443 = tpu.memref_slice %arg7[%scatter3A_440, %scatter3A_441, %scatter3A_442] : memref<2x128x64xf32, #tpu.memory_space<vmem>> -> memref<1x128x64xf32, #tpu.memory_space<vmem>>
          %scatter3A_444 = tpu.memref_squeeze %scatter3A_443 : memref<1x128x64xf32, #tpu.memory_space<vmem>> -> memref<128x64xf32, #tpu.memory_space<vmem>>
          tpu.vector_store_idx %scatter3A_444[%add3A_114, %broadcast_in_dim3A_439], %broadcast_in_dim3A_116 masked %eq3A_110 : memref<128x64xf32, #tpu.memory_space<vmem>>[vector<16xi32>, vector<16xi32>], vector<16xf32>, vector<16xi1>
          %broadcast_in_dim3A_445 = arith.constant 47 : i32
          %broadcast_in_dim3A_446 = vector.broadcast %broadcast_in_dim3A_445 : i32 to vector<16xi32>
          %scatter3A_447 = arith.constant 0 : i32
          %scatter3A_448 = arith.constant 0 : i32
          %scatter3A_449 = arith.constant 0 : i32
          %scatter3A_450 = tpu.memref_slice %arg7[%scatter3A_447, %scatter3A_448, %scatter3A_449] : memref<2x128x64xf32, #tpu.memory_space<vmem>> -> memref<1x128x64xf32, #tpu.memory_space<vmem>>
          %scatter3A_451 = tpu.memref_squeeze %scatter3A_450 : memref<1x128x64xf32, #tpu.memory_space<vmem>> -> memref<128x64xf32, #tpu.memory_space<vmem>>
          tpu.vector_store_idx %scatter3A_451[%add3A_114, %broadcast_in_dim3A_446], %broadcast_in_dim3A_116 masked %eq3A_110 : memref<128x64xf32, #tpu.memory_space<vmem>>[vector<16xi32>, vector<16xi32>], vector<16xf32>, vector<16xi1>
          %broadcast_in_dim3A_452 = arith.constant 48 : i32
          %broadcast_in_dim3A_453 = vector.broadcast %broadcast_in_dim3A_452 : i32 to vector<16xi32>
          %scatter3A_454 = arith.constant 0 : i32
          %scatter3A_455 = arith.constant 0 : i32
          %scatter3A_456 = arith.constant 0 : i32
          %scatter3A_457 = tpu.memref_slice %arg7[%scatter3A_454, %scatter3A_455, %scatter3A_456] : memref<2x128x64xf32, #tpu.memory_space<vmem>> -> memref<1x128x64xf32, #tpu.memory_space<vmem>>
          %scatter3A_458 = tpu.memref_squeeze %scatter3A_457 : memref<1x128x64xf32, #tpu.memory_space<vmem>> -> memref<128x64xf32, #tpu.memory_space<vmem>>
          tpu.vector_store_idx %scatter3A_458[%add3A_114, %broadcast_in_dim3A_453], %broadcast_in_dim3A_116 masked %eq3A_110 : memref<128x64xf32, #tpu.memory_space<vmem>>[vector<16xi32>, vector<16xi32>], vector<16xf32>, vector<16xi1>
          %broadcast_in_dim3A_459 = arith.constant 49 : i32
          %broadcast_in_dim3A_460 = vector.broadcast %broadcast_in_dim3A_459 : i32 to vector<16xi32>
          %scatter3A_461 = arith.constant 0 : i32
          %scatter3A_462 = arith.constant 0 : i32
          %scatter3A_463 = arith.constant 0 : i32
          %scatter3A_464 = tpu.memref_slice %arg7[%scatter3A_461, %scatter3A_462, %scatter3A_463] : memref<2x128x64xf32, #tpu.memory_space<vmem>> -> memref<1x128x64xf32, #tpu.memory_space<vmem>>
          %scatter3A_465 = tpu.memref_squeeze %scatter3A_464 : memref<1x128x64xf32, #tpu.memory_space<vmem>> -> memref<128x64xf32, #tpu.memory_space<vmem>>
          tpu.vector_store_idx %scatter3A_465[%add3A_114, %broadcast_in_dim3A_460], %broadcast_in_dim3A_116 masked %eq3A_110 : memref<128x64xf32, #tpu.memory_space<vmem>>[vector<16xi32>, vector<16xi32>], vector<16xf32>, vector<16xi1>
          %broadcast_in_dim3A_466 = arith.constant 50 : i32
          %broadcast_in_dim3A_467 = vector.broadcast %broadcast_in_dim3A_466 : i32 to vector<16xi32>
          %scatter3A_468 = arith.constant 0 : i32
          %scatter3A_469 = arith.constant 0 : i32
          %scatter3A_470 = arith.constant 0 : i32
          %scatter3A_471 = tpu.memref_slice %arg7[%scatter3A_468, %scatter3A_469, %scatter3A_470] : memref<2x128x64xf32, #tpu.memory_space<vmem>> -> memref<1x128x64xf32, #tpu.memory_space<vmem>>
          %scatter3A_472 = tpu.memref_squeeze %scatter3A_471 : memref<1x128x64xf32, #tpu.memory_space<vmem>> -> memref<128x64xf32, #tpu.memory_space<vmem>>
          tpu.vector_store_idx %scatter3A_472[%add3A_114, %broadcast_in_dim3A_467], %broadcast_in_dim3A_116 masked %eq3A_110 : memref<128x64xf32, #tpu.memory_space<vmem>>[vector<16xi32>, vector<16xi32>], vector<16xf32>, vector<16xi1>
          %broadcast_in_dim3A_473 = arith.constant 51 : i32
          %broadcast_in_dim3A_474 = vector.broadcast %broadcast_in_dim3A_473 : i32 to vector<16xi32>
          %scatter3A_475 = arith.constant 0 : i32
          %scatter3A_476 = arith.constant 0 : i32
          %scatter3A_477 = arith.constant 0 : i32
          %scatter3A_478 = tpu.memref_slice %arg7[%scatter3A_475, %scatter3A_476, %scatter3A_477] : memref<2x128x64xf32, #tpu.memory_space<vmem>> -> memref<1x128x64xf32, #tpu.memory_space<vmem>>
          %scatter3A_479 = tpu.memref_squeeze %scatter3A_478 : memref<1x128x64xf32, #tpu.memory_space<vmem>> -> memref<128x64xf32, #tpu.memory_space<vmem>>
          tpu.vector_store_idx %scatter3A_479[%add3A_114, %broadcast_in_dim3A_474], %broadcast_in_dim3A_116 masked %eq3A_110 : memref<128x64xf32, #tpu.memory_space<vmem>>[vector<16xi32>, vector<16xi32>], vector<16xf32>, vector<16xi1>
          %broadcast_in_dim3A_480 = arith.constant 52 : i32
          %broadcast_in_dim3A_481 = vector.broadcast %broadcast_in_dim3A_480 : i32 to vector<16xi32>
          %scatter3A_482 = arith.constant 0 : i32
          %scatter3A_483 = arith.constant 0 : i32
          %scatter3A_484 = arith.constant 0 : i32
          %scatter3A_485 = tpu.memref_slice %arg7[%scatter3A_482, %scatter3A_483, %scatter3A_484] : memref<2x128x64xf32, #tpu.memory_space<vmem>> -> memref<1x128x64xf32, #tpu.memory_space<vmem>>
          %scatter3A_486 = tpu.memref_squeeze %scatter3A_485 : memref<1x128x64xf32, #tpu.memory_space<vmem>> -> memref<128x64xf32, #tpu.memory_space<vmem>>
          tpu.vector_store_idx %scatter3A_486[%add3A_114, %broadcast_in_dim3A_481], %broadcast_in_dim3A_116 masked %eq3A_110 : memref<128x64xf32, #tpu.memory_space<vmem>>[vector<16xi32>, vector<16xi32>], vector<16xf32>, vector<16xi1>
          %broadcast_in_dim3A_487 = arith.constant 53 : i32
          %broadcast_in_dim3A_488 = vector.broadcast %broadcast_in_dim3A_487 : i32 to vector<16xi32>
          %scatter3A_489 = arith.constant 0 : i32
          %scatter3A_490 = arith.constant 0 : i32
          %scatter3A_491 = arith.constant 0 : i32
          %scatter3A_492 = tpu.memref_slice %arg7[%scatter3A_489, %scatter3A_490, %scatter3A_491] : memref<2x128x64xf32, #tpu.memory_space<vmem>> -> memref<1x128x64xf32, #tpu.memory_space<vmem>>
          %scatter3A_493 = tpu.memref_squeeze %scatter3A_492 : memref<1x128x64xf32, #tpu.memory_space<vmem>> -> memref<128x64xf32, #tpu.memory_space<vmem>>
          tpu.vector_store_idx %scatter3A_493[%add3A_114, %broadcast_in_dim3A_488], %broadcast_in_dim3A_116 masked %eq3A_110 : memref<128x64xf32, #tpu.memory_space<vmem>>[vector<16xi32>, vector<16xi32>], vector<16xf32>, vector<16xi1>
          %broadcast_in_dim3A_494 = arith.constant 54 : i32
          %broadcast_in_dim3A_495 = vector.broadcast %broadcast_in_dim3A_494 : i32 to vector<16xi32>
          %scatter3A_496 = arith.constant 0 : i32
          %scatter3A_497 = arith.constant 0 : i32
          %scatter3A_498 = arith.constant 0 : i32
          %scatter3A_499 = tpu.memref_slice %arg7[%scatter3A_496, %scatter3A_497, %scatter3A_498] : memref<2x128x64xf32, #tpu.memory_space<vmem>> -> memref<1x128x64xf32, #tpu.memory_space<vmem>>
          %scatter3A_500 = tpu.memref_squeeze %scatter3A_499 : memref<1x128x64xf32, #tpu.memory_space<vmem>> -> memref<128x64xf32, #tpu.memory_space<vmem>>
          tpu.vector_store_idx %scatter3A_500[%add3A_114, %broadcast_in_dim3A_495], %broadcast_in_dim3A_116 masked %eq3A_110 : memref<128x64xf32, #tpu.memory_space<vmem>>[vector<16xi32>, vector<16xi32>], vector<16xf32>, vector<16xi1>
          %broadcast_in_dim3A_501 = arith.constant 55 : i32
          %broadcast_in_dim3A_502 = vector.broadcast %broadcast_in_dim3A_501 : i32 to vector<16xi32>
          %scatter3A_503 = arith.constant 0 : i32
          %scatter3A_504 = arith.constant 0 : i32
          %scatter3A_505 = arith.constant 0 : i32
          %scatter3A_506 = tpu.memref_slice %arg7[%scatter3A_503, %scatter3A_504, %scatter3A_505] : memref<2x128x64xf32, #tpu.memory_space<vmem>> -> memref<1x128x64xf32, #tpu.memory_space<vmem>>
          %scatter3A_507 = tpu.memref_squeeze %scatter3A_506 : memref<1x128x64xf32, #tpu.memory_space<vmem>> -> memref<128x64xf32, #tpu.memory_space<vmem>>
          tpu.vector_store_idx %scatter3A_507[%add3A_114, %broadcast_in_dim3A_502], %broadcast_in_dim3A_116 masked %eq3A_110 : memref<128x64xf32, #tpu.memory_space<vmem>>[vector<16xi32>, vector<16xi32>], vector<16xf32>, vector<16xi1>
          %broadcast_in_dim3A_508 = arith.constant 56 : i32
          %broadcast_in_dim3A_509 = vector.broadcast %broadcast_in_dim3A_508 : i32 to vector<16xi32>
          %scatter3A_510 = arith.constant 0 : i32
          %scatter3A_511 = arith.constant 0 : i32
          %scatter3A_512 = arith.constant 0 : i32
          %scatter3A_513 = tpu.memref_slice %arg7[%scatter3A_510, %scatter3A_511, %scatter3A_512] : memref<2x128x64xf32, #tpu.memory_space<vmem>> -> memref<1x128x64xf32, #tpu.memory_space<vmem>>
          %scatter3A_514 = tpu.memref_squeeze %scatter3A_513 : memref<1x128x64xf32, #tpu.memory_space<vmem>> -> memref<128x64xf32, #tpu.memory_space<vmem>>
          tpu.vector_store_idx %scatter3A_514[%add3A_114, %broadcast_in_dim3A_509], %broadcast_in_dim3A_116 masked %eq3A_110 : memref<128x64xf32, #tpu.memory_space<vmem>>[vector<16xi32>, vector<16xi32>], vector<16xf32>, vector<16xi1>
          %broadcast_in_dim3A_515 = arith.constant 57 : i32
          %broadcast_in_dim3A_516 = vector.broadcast %broadcast_in_dim3A_515 : i32 to vector<16xi32>
          %scatter3A_517 = arith.constant 0 : i32
          %scatter3A_518 = arith.constant 0 : i32
          %scatter3A_519 = arith.constant 0 : i32
          %scatter3A_520 = tpu.memref_slice %arg7[%scatter3A_517, %scatter3A_518, %scatter3A_519] : memref<2x128x64xf32, #tpu.memory_space<vmem>> -> memref<1x128x64xf32, #tpu.memory_space<vmem>>
          %scatter3A_521 = tpu.memref_squeeze %scatter3A_520 : memref<1x128x64xf32, #tpu.memory_space<vmem>> -> memref<128x64xf32, #tpu.memory_space<vmem>>
          tpu.vector_store_idx %scatter3A_521[%add3A_114, %broadcast_in_dim3A_516], %broadcast_in_dim3A_116 masked %eq3A_110 : memref<128x64xf32, #tpu.memory_space<vmem>>[vector<16xi32>, vector<16xi32>], vector<16xf32>, vector<16xi1>
          %broadcast_in_dim3A_522 = arith.constant 58 : i32
          %broadcast_in_dim3A_523 = vector.broadcast %broadcast_in_dim3A_522 : i32 to vector<16xi32>
          %scatter3A_524 = arith.constant 0 : i32
          %scatter3A_525 = arith.constant 0 : i32
          %scatter3A_526 = arith.constant 0 : i32
          %scatter3A_527 = tpu.memref_slice %arg7[%scatter3A_524, %scatter3A_525, %scatter3A_526] : memref<2x128x64xf32, #tpu.memory_space<vmem>> -> memref<1x128x64xf32, #tpu.memory_space<vmem>>
          %scatter3A_528 = tpu.memref_squeeze %scatter3A_527 : memref<1x128x64xf32, #tpu.memory_space<vmem>> -> memref<128x64xf32, #tpu.memory_space<vmem>>
          tpu.vector_store_idx %scatter3A_528[%add3A_114, %broadcast_in_dim3A_523], %broadcast_in_dim3A_116 masked %eq3A_110 : memref<128x64xf32, #tpu.memory_space<vmem>>[vector<16xi32>, vector<16xi32>], vector<16xf32>, vector<16xi1>
          %broadcast_in_dim3A_529 = arith.constant 59 : i32
          %broadcast_in_dim3A_530 = vector.broadcast %broadcast_in_dim3A_529 : i32 to vector<16xi32>
          %scatter3A_531 = arith.constant 0 : i32
          %scatter3A_532 = arith.constant 0 : i32
          %scatter3A_533 = arith.constant 0 : i32
          %scatter3A_534 = tpu.memref_slice %arg7[%scatter3A_531, %scatter3A_532, %scatter3A_533] : memref<2x128x64xf32, #tpu.memory_space<vmem>> -> memref<1x128x64xf32, #tpu.memory_space<vmem>>
          %scatter3A_535 = tpu.memref_squeeze %scatter3A_534 : memref<1x128x64xf32, #tpu.memory_space<vmem>> -> memref<128x64xf32, #tpu.memory_space<vmem>>
          tpu.vector_store_idx %scatter3A_535[%add3A_114, %broadcast_in_dim3A_530], %broadcast_in_dim3A_116 masked %eq3A_110 : memref<128x64xf32, #tpu.memory_space<vmem>>[vector<16xi32>, vector<16xi32>], vector<16xf32>, vector<16xi1>
          %broadcast_in_dim3A_536 = arith.constant 60 : i32
          %broadcast_in_dim3A_537 = vector.broadcast %broadcast_in_dim3A_536 : i32 to vector<16xi32>
          %scatter3A_538 = arith.constant 0 : i32
          %scatter3A_539 = arith.constant 0 : i32
          %scatter3A_540 = arith.constant 0 : i32
          %scatter3A_541 = tpu.memref_slice %arg7[%scatter3A_538, %scatter3A_539, %scatter3A_540] : memref<2x128x64xf32, #tpu.memory_space<vmem>> -> memref<1x128x64xf32, #tpu.memory_space<vmem>>
          %scatter3A_542 = tpu.memref_squeeze %scatter3A_541 : memref<1x128x64xf32, #tpu.memory_space<vmem>> -> memref<128x64xf32, #tpu.memory_space<vmem>>
          tpu.vector_store_idx %scatter3A_542[%add3A_114, %broadcast_in_dim3A_537], %broadcast_in_dim3A_116 masked %eq3A_110 : memref<128x64xf32, #tpu.memory_space<vmem>>[vector<16xi32>, vector<16xi32>], vector<16xf32>, vector<16xi1>
          %broadcast_in_dim3A_543 = arith.constant 61 : i32
          %broadcast_in_dim3A_544 = vector.broadcast %broadcast_in_dim3A_543 : i32 to vector<16xi32>
          %scatter3A_545 = arith.constant 0 : i32
          %scatter3A_546 = arith.constant 0 : i32
          %scatter3A_547 = arith.constant 0 : i32
          %scatter3A_548 = tpu.memref_slice %arg7[%scatter3A_545, %scatter3A_546, %scatter3A_547] : memref<2x128x64xf32, #tpu.memory_space<vmem>> -> memref<1x128x64xf32, #tpu.memory_space<vmem>>
          %scatter3A_549 = tpu.memref_squeeze %scatter3A_548 : memref<1x128x64xf32, #tpu.memory_space<vmem>> -> memref<128x64xf32, #tpu.memory_space<vmem>>
          tpu.vector_store_idx %scatter3A_549[%add3A_114, %broadcast_in_dim3A_544], %broadcast_in_dim3A_116 masked %eq3A_110 : memref<128x64xf32, #tpu.memory_space<vmem>>[vector<16xi32>, vector<16xi32>], vector<16xf32>, vector<16xi1>
          %broadcast_in_dim3A_550 = arith.constant 62 : i32
          %broadcast_in_dim3A_551 = vector.broadcast %broadcast_in_dim3A_550 : i32 to vector<16xi32>
          %scatter3A_552 = arith.constant 0 : i32
          %scatter3A_553 = arith.constant 0 : i32
          %scatter3A_554 = arith.constant 0 : i32
          %scatter3A_555 = tpu.memref_slice %arg7[%scatter3A_552, %scatter3A_553, %scatter3A_554] : memref<2x128x64xf32, #tpu.memory_space<vmem>> -> memref<1x128x64xf32, #tpu.memory_space<vmem>>
          %scatter3A_556 = tpu.memref_squeeze %scatter3A_555 : memref<1x128x64xf32, #tpu.memory_space<vmem>> -> memref<128x64xf32, #tpu.memory_space<vmem>>
          tpu.vector_store_idx %scatter3A_556[%add3A_114, %broadcast_in_dim3A_551], %broadcast_in_dim3A_116 masked %eq3A_110 : memref<128x64xf32, #tpu.memory_space<vmem>>[vector<16xi32>, vector<16xi32>], vector<16xf32>, vector<16xi1>
          %broadcast_in_dim3A_557 = arith.constant 63 : i32
          %broadcast_in_dim3A_558 = vector.broadcast %broadcast_in_dim3A_557 : i32 to vector<16xi32>
          %scatter3A_559 = arith.constant 0 : i32
          %scatter3A_560 = arith.constant 0 : i32
          %scatter3A_561 = arith.constant 0 : i32
          %scatter3A_562 = tpu.memref_slice %arg7[%scatter3A_559, %scatter3A_560, %scatter3A_561] : memref<2x128x64xf32, #tpu.memory_space<vmem>> -> memref<1x128x64xf32, #tpu.memory_space<vmem>>
          %scatter3A_563 = tpu.memref_squeeze %scatter3A_562 : memref<1x128x64xf32, #tpu.memory_space<vmem>> -> memref<128x64xf32, #tpu.memory_space<vmem>>
          tpu.vector_store_idx %scatter3A_563[%add3A_114, %broadcast_in_dim3A_558], %broadcast_in_dim3A_116 masked %eq3A_110 : memref<128x64xf32, #tpu.memory_space<vmem>>[vector<16xi32>, vector<16xi32>], vector<16xf32>, vector<16xi1>
        }
        %scan3A_103 = arith.constant 8 : i32
      } else {
      }
      %run_scoped3A = arith.constant 0 : i32
      "tpu.region"() ({
        %run_scoped3A_98 = tpu.sem_alloc : memref<!tpu.dma_semaphore, #tpu.memory_space<semaphore_mem>>
        %dma_start3A_99 = arith.constant 0 : i32
        %dma_start3A_100 = arith.constant 0 : i32
        %dma_start3A_101 = tpu.memref_slice %arg7[%run_scoped3A, %dma_start3A_99, %dma_start3A_100] : memref<2x128x64xf32, #tpu.memory_space<vmem>> -> memref<1x128x64xf32, #tpu.memory_space<vmem>>
        %dma_start3A_102 = tpu.memref_squeeze %dma_start3A_101 : memref<1x128x64xf32, #tpu.memory_space<vmem>> -> memref<128x64xf32, #tpu.memory_space<vmem>>
        %dma_start3A_103 = arith.constant 0 : i32
        %dma_start3A_104 = tpu.memref_slice %arg4[%scan3A_25, %mul3A_2, %dma_start3A_103] : memref<25x4096x128xf32, #tpu.memory_space<hbm>> -> memref<1x128x64xf32, #tpu.memory_space<hbm>>
        %dma_start3A_105 = tpu.memref_squeeze %dma_start3A_104 : memref<1x128x64xf32, #tpu.memory_space<hbm>> -> memref<128x64xf32, #tpu.memory_space<hbm>>
        %dma_start3A_106 = arith.constant 0 : i32
        %dma_start3A_107 = tpu.memref_slice %arg4[%scan3A_25, %mul3A_2, %dma_start3A_106] : memref<25x4096x128xf32, #tpu.memory_space<hbm>> -> memref<1x128x64xf32, #tpu.memory_space<hbm>>
        %dma_start3A_108 = tpu.memref_squeeze %dma_start3A_107 : memref<1x128x64xf32, #tpu.memory_space<hbm>> -> memref<128x64xf32, #tpu.memory_space<hbm>>
        %dma_start3A_109 = arith.constant 0 : i32
        %dma_start3A_110 = arith.constant 0 : i32
        %dma_start3A_111 = tpu.memref_slice %arg7[%run_scoped3A, %dma_start3A_109, %dma_start3A_110] : memref<2x128x64xf32, #tpu.memory_space<vmem>> -> memref<1x128x64xf32, #tpu.memory_space<vmem>>
        %dma_start3A_112 = tpu.memref_squeeze %dma_start3A_111 : memref<1x128x64xf32, #tpu.memory_space<vmem>> -> memref<128x64xf32, #tpu.memory_space<vmem>>
        tpu.enqueue_dma source(%dma_start3A_112 : memref<128x64xf32, #tpu.memory_space<vmem>>) target(%dma_start3A_108 : memref<128x64xf32, #tpu.memory_space<hbm>>) target_semaphore(%run_scoped3A_98 : memref<!tpu.dma_semaphore, #tpu.memory_space<semaphore_mem>>)
        %dma_wait3A_113 = arith.constant 0 : i32
        %dma_wait3A_114 = arith.constant 0 : i32
        %dma_wait3A_115 = tpu.memref_slice %arg7[%run_scoped3A, %dma_wait3A_113, %dma_wait3A_114] : memref<2x128x64xf32, #tpu.memory_space<vmem>> -> memref<1x128x64xf32, #tpu.memory_space<vmem>>
        %dma_wait3A_116 = tpu.memref_squeeze %dma_wait3A_115 : memref<1x128x64xf32, #tpu.memory_space<vmem>> -> memref<128x64xf32, #tpu.memory_space<vmem>>
        %dma_wait3A_117 = arith.constant 0 : i32
        %dma_wait3A_118 = tpu.memref_slice %arg4[%scan3A_25, %mul3A_2, %dma_wait3A_117] : memref<25x4096x128xf32, #tpu.memory_space<hbm>> -> memref<1x128x64xf32, #tpu.memory_space<hbm>>
        %dma_wait3A_119 = tpu.memref_squeeze %dma_wait3A_118 : memref<1x128x64xf32, #tpu.memory_space<hbm>> -> memref<128x64xf32, #tpu.memory_space<hbm>>
        %dma_wait3A_120 = arith.constant 0 : i32
        %dma_wait3A_121 = tpu.memref_slice %arg4[%scan3A_25, %mul3A_2, %dma_wait3A_120] : memref<25x4096x128xf32, #tpu.memory_space<hbm>> -> memref<1x128x64xf32, #tpu.memory_space<hbm>>
        %dma_wait3A_122 = tpu.memref_squeeze %dma_wait3A_121 : memref<1x128x64xf32, #tpu.memory_space<hbm>> -> memref<128x64xf32, #tpu.memory_space<hbm>>
        %dma_wait3A_123 = arith.constant 0 : i32
        %dma_wait3A_124 = arith.constant 0 : i32
        %dma_wait3A_125 = tpu.memref_slice %arg7[%run_scoped3A, %dma_wait3A_123, %dma_wait3A_124] : memref<2x128x64xf32, #tpu.memory_space<vmem>> -> memref<1x128x64xf32, #tpu.memory_space<vmem>>
        %dma_wait3A_126 = tpu.memref_squeeze %dma_wait3A_125 : memref<1x128x64xf32, #tpu.memory_space<vmem>> -> memref<128x64xf32, #tpu.memory_space<vmem>>
        tpu.wait_dma2 semaphore(%run_scoped3A_98 : memref<!tpu.dma_semaphore, #tpu.memory_space<semaphore_mem>>) src(%dma_wait3A_126 : memref<128x64xf32, #tpu.memory_space<vmem>>) dst(%dma_wait3A_122 : memref<128x64xf32, #tpu.memory_space<hbm>>)
        tpu.yield
      }) : () -> ()
      %mul3A_58 = arith.constant 2 : i32
      %mul3A_59 = arith.muli %scan3A_25, %mul3A_58 : i32
      %add3A_60 = arith.constant 1 : i32
      %add3A_61 = arith.addi %mul3A_59, %add3A_60 : i32
      %add3A_62 = arith.constant 1 : i32
      %add3A_63 = arith.addi %add3A_61, %add3A_62 : i32
      %lt3A_64 = arith.constant 50 : i32
      %lt3A_65 = arith.cmpi slt, %add3A_63, %lt3A_64 : i32
      %convert_element_type3A_66 = arith.extui %lt3A_65 : i1 to i32
      %cond3A_67 = arith.constant 0 : i32
      %cond3A_68 = arith.cmpi ne, %convert_element_type3A_66, %cond3A_67 : i32
      scf.if %cond3A_68 {
        %add3A_98 = arith.constant 1 : i32
        %add3A_99 = arith.addi %add3A_61, %add3A_98 : i32
        %dma_start3A_100 = arith.constant 0 : i32
        %dma_start3A_101 = arith.constant 0 : i32
        %dma_start3A_102 = arith.constant 0 : i32
        %dma_start3A_103 = tpu.memref_slice %arg7[%dma_start3A_100, %dma_start3A_101, %dma_start3A_102] : memref<2x128x64xf32, #tpu.memory_space<vmem>> -> memref<1x128x64xf32, #tpu.memory_space<vmem>>
        %dma_start3A_104 = tpu.memref_squeeze %dma_start3A_103 : memref<1x128x64xf32, #tpu.memory_space<vmem>> -> memref<128x64xf32, #tpu.memory_space<vmem>>
        %dma_start3A_105 = arith.constant 0 : i32
        %dma_start3A_106 = tpu.memref_slice %arg6[%add3A_99, %dma_start3A_105] : memref<50x128xi32, #tpu.memory_space<vmem>> -> memref<1x128xi32, #tpu.memory_space<vmem>>
        %dma_start3A_107 = tpu.memref_squeeze %dma_start3A_106 : memref<1x128xi32, #tpu.memory_space<vmem>> -> memref<128xi32, #tpu.memory_space<vmem>>
        %dma_start3A_108 = arith.constant 0 : i32
        %dma_start3A_109 = arith.constant 0 : i32
        %dma_start3A_110 = tpu.memref_slice %arg3[%dma_start3A_108, %dma_start3A_109] : memref<1000000x64xf32, #tpu.memory_space<hbm>> -> memref<1000000x64xf32, #tpu.memory_space<hbm>>
        tpu.enqueue_indirect_dma source(%dma_start3A_110 : memref<1000000x64xf32, #tpu.memory_space<hbm>>) target(%dma_start3A_104 : memref<128x64xf32, #tpu.memory_space<vmem>>) offsets(%dma_start3A_107 : memref<128xi32, #tpu.memory_space<vmem>>) semaphore(%arg8 : memref<!tpu.dma_semaphore, #tpu.memory_space<semaphore_mem>>)
      } else {
      }
      %dma_wait3A_69 = arith.constant 1 : i32
      %dma_wait3A_70 = arith.constant 0 : i32
      %dma_wait3A_71 = arith.constant 0 : i32
      %dma_wait3A_72 = tpu.memref_slice %arg7[%dma_wait3A_69, %dma_wait3A_70, %dma_wait3A_71] : memref<2x128x64xf32, #tpu.memory_space<vmem>> -> memref<1x128x64xf32, #tpu.memory_space<vmem>>
      %dma_wait3A_73 = tpu.memref_squeeze %dma_wait3A_72 : memref<1x128x64xf32, #tpu.memory_space<vmem>> -> memref<128x64xf32, #tpu.memory_space<vmem>>
      %dma_wait3A_74 = arith.constant 0 : i32
      %dma_wait3A_75 = tpu.memref_slice %arg6[%add3A_61, %dma_wait3A_74] : memref<50x128xi32, #tpu.memory_space<vmem>> -> memref<1x128xi32, #tpu.memory_space<vmem>>
      %dma_wait3A_76 = tpu.memref_squeeze %dma_wait3A_75 : memref<1x128xi32, #tpu.memory_space<vmem>> -> memref<128xi32, #tpu.memory_space<vmem>>
      %dma_wait3A_77 = arith.constant 0 : i32
      %dma_wait3A_78 = arith.constant 0 : i32
      %dma_wait3A_79 = tpu.memref_slice %arg3[%dma_wait3A_77, %dma_wait3A_78] : memref<1000000x64xf32, #tpu.memory_space<hbm>> -> memref<1000000x64xf32, #tpu.memory_space<hbm>>
      tpu.wait_indirect_dma semaphore(%arg9 : memref<!tpu.dma_semaphore, #tpu.memory_space<semaphore_mem>>) src(%dma_wait3A_79 : memref<1000000x64xf32, #tpu.memory_space<hbm>>) dst(%dma_wait3A_73 : memref<128x64xf32, #tpu.memory_space<vmem>>)
      %broadcast_in_dim3A_80 = arith.constant 0 : i32
      %broadcast_in_dim3A_81 = vector.broadcast %broadcast_in_dim3A_80 : i32 to vector<16xi32>
      %scan3A_82 = arith.constant 0 : i32
      %scan3A_83 = arith.constant 8 : i32
      %scan3A_84 = arith.addi %scan3A_82, %scan3A_83 : i32
      %scan3A_85 = arith.constant 1 : i32
      %scan3A_86 = scf.for %scan3A_98 = %scan3A_82 to %scan3A_84 step %scan3A_85 iter_args(%scan3A_99 = %broadcast_in_dim3A_81) -> (vector<16xi32>)  : i32 {
        %mul3A_100 = arith.constant 16 : i32
        %mul3A_101 = arith.muli %scan3A_98, %mul3A_100 : i32
        %get3A = arith.index_cast %add3A_61 : i32 to index
        %get3A_102 = arith.index_cast %mul3A_101 : i32 to index
        %get3A_103 = tpu.vector_load %arg6[%get3A, %get3A_102] {strides = array<i32>} : memref<50x128xi32, #tpu.memory_space<vmem>>, vector<16xi32>,
        %eq3A = arith.constant 0 : i32
        %eq3A_104 = vector.broadcast %eq3A : i32 to vector<16xi32>
        %eq3A_105 = arith.cmpi eq, %get3A_103, %eq3A_104 : vector<16xi32>
        %all_reduce_population_count3A = tpu.all_reduce %eq3A_105 {dim = 0 : i64, kind = #tpu.reduction_kind<sum>} : vector<16xi1> -> vector<16xi32>
        %add3A_106 = arith.addi %scan3A_99, %all_reduce_population_count3A : vector<16xi32>
        scf.yield %add3A_106 : vector<16xi32>
      }
      %scan3A_87 = arith.constant 8 : i32
      %reduce_sum3A_88 = arith.constant true
      %reduce_sum3A_89 = vector.broadcast %reduce_sum3A_88 : i1 to vector<16xi1>
      %reduce_sum3A_90 = tpu.scan <sum>, %scan3A_86 masked %reduce_sum3A_89 : vector<16xi32>, vector<16xi1> -> vector<16xi32>
      %reduce_sum3A_91 = vector.extract %reduce_sum3A_90[15] : i32 from vector<16xi32>
      %gt3A_92 = arith.constant 0 : i32
      %gt3A_93 = arith.cmpi sgt, %reduce_sum3A_91, %gt3A_92 : i32
      %convert_element_type3A_94 = arith.extui %gt3A_93 : i1 to i32
      %cond3A_95 = arith.constant 0 : i32
      %cond3A_96 = arith.cmpi ne, %convert_element_type3A_94, %cond3A_95 : i32
      scf.if %cond3A_96 {
        %scan3A_98 = arith.constant 0 : i32
        %scan3A_99 = arith.constant 0 : i32
        %scan3A_100 = arith.constant 8 : i32
        %scan3A_101 = arith.addi %scan3A_99, %scan3A_100 : i32
        %scan3A_102 = arith.constant 1 : i32
        scf.for %scan3A_104 = %scan3A_99 to %scan3A_101 step %scan3A_102  : i32 {
          %mul3A_105 = arith.constant 16 : i32
          %mul3A_106 = arith.muli %scan3A_104, %mul3A_105 : i32
          %get3A = arith.index_cast %add3A_61 : i32 to index
          %get3A_107 = arith.index_cast %mul3A_106 : i32 to index
          %get3A_108 = tpu.vector_load %arg6[%get3A, %get3A_107] {strides = array<i32>} : memref<50x128xi32, #tpu.memory_space<vmem>>, vector<16xi32>,
          %eq3A = arith.constant 0 : i32
          %eq3A_109 = vector.broadcast %eq3A : i32 to vector<16xi32>
          %eq3A_110 = arith.cmpi eq, %get3A_108, %eq3A_109 : vector<16xi32>
          %mul3A_111 = arith.constant 16 : i32
          %mul3A_112 = arith.muli %scan3A_104, %mul3A_111 : i32
          %iota3A = tpu.iota {dimensions = array<i32: 0>} : vector<16xi32>
          %add3A_113 = vector.broadcast %mul3A_112 : i32 to vector<16xi32>
          %add3A_114 = arith.addi %add3A_113, %iota3A : vector<16xi32>
          %broadcast_in_dim3A_115 = arith.constant 0.000000e+00 : f32
          %broadcast_in_dim3A_116 = vector.broadcast %broadcast_in_dim3A_115 : f32 to vector<16xf32>
          %broadcast_in_dim3A_117 = arith.constant 0 : i32
          %broadcast_in_dim3A_118 = vector.broadcast %broadcast_in_dim3A_117 : i32 to vector<16xi32>
          %scatter3A = arith.constant 1 : i32
          %scatter3A_119 = arith.constant 0 : i32
          %scatter3A_120 = arith.constant 0 : i32
          %scatter3A_121 = tpu.memref_slice %arg7[%scatter3A, %scatter3A_119, %scatter3A_120] : memref<2x128x64xf32, #tpu.memory_space<vmem>> -> memref<1x128x64xf32, #tpu.memory_space<vmem>>
          %scatter3A_122 = tpu.memref_squeeze %scatter3A_121 : memref<1x128x64xf32, #tpu.memory_space<vmem>> -> memref<128x64xf32, #tpu.memory_space<vmem>>
          tpu.vector_store_idx %scatter3A_122[%add3A_114, %broadcast_in_dim3A_118], %broadcast_in_dim3A_116 masked %eq3A_110 : memref<128x64xf32, #tpu.memory_space<vmem>>[vector<16xi32>, vector<16xi32>], vector<16xf32>, vector<16xi1>
          %broadcast_in_dim3A_123 = arith.constant 1 : i32
          %broadcast_in_dim3A_124 = vector.broadcast %broadcast_in_dim3A_123 : i32 to vector<16xi32>
          %scatter3A_125 = arith.constant 1 : i32
          %scatter3A_126 = arith.constant 0 : i32
          %scatter3A_127 = arith.constant 0 : i32
          %scatter3A_128 = tpu.memref_slice %arg7[%scatter3A_125, %scatter3A_126, %scatter3A_127] : memref<2x128x64xf32, #tpu.memory_space<vmem>> -> memref<1x128x64xf32, #tpu.memory_space<vmem>>
          %scatter3A_129 = tpu.memref_squeeze %scatter3A_128 : memref<1x128x64xf32, #tpu.memory_space<vmem>> -> memref<128x64xf32, #tpu.memory_space<vmem>>
          tpu.vector_store_idx %scatter3A_129[%add3A_114, %broadcast_in_dim3A_124], %broadcast_in_dim3A_116 masked %eq3A_110 : memref<128x64xf32, #tpu.memory_space<vmem>>[vector<16xi32>, vector<16xi32>], vector<16xf32>, vector<16xi1>
          %broadcast_in_dim3A_130 = arith.constant 2 : i32
          %broadcast_in_dim3A_131 = vector.broadcast %broadcast_in_dim3A_130 : i32 to vector<16xi32>
          %scatter3A_132 = arith.constant 1 : i32
          %scatter3A_133 = arith.constant 0 : i32
          %scatter3A_134 = arith.constant 0 : i32
          %scatter3A_135 = tpu.memref_slice %arg7[%scatter3A_132, %scatter3A_133, %scatter3A_134] : memref<2x128x64xf32, #tpu.memory_space<vmem>> -> memref<1x128x64xf32, #tpu.memory_space<vmem>>
          %scatter3A_136 = tpu.memref_squeeze %scatter3A_135 : memref<1x128x64xf32, #tpu.memory_space<vmem>> -> memref<128x64xf32, #tpu.memory_space<vmem>>
          tpu.vector_store_idx %scatter3A_136[%add3A_114, %broadcast_in_dim3A_131], %broadcast_in_dim3A_116 masked %eq3A_110 : memref<128x64xf32, #tpu.memory_space<vmem>>[vector<16xi32>, vector<16xi32>], vector<16xf32>, vector<16xi1>
          %broadcast_in_dim3A_137 = arith.constant 3 : i32
          %broadcast_in_dim3A_138 = vector.broadcast %broadcast_in_dim3A_137 : i32 to vector<16xi32>
          %scatter3A_139 = arith.constant 1 : i32
          %scatter3A_140 = arith.constant 0 : i32
          %scatter3A_141 = arith.constant 0 : i32
          %scatter3A_142 = tpu.memref_slice %arg7[%scatter3A_139, %scatter3A_140, %scatter3A_141] : memref<2x128x64xf32, #tpu.memory_space<vmem>> -> memref<1x128x64xf32, #tpu.memory_space<vmem>>
          %scatter3A_143 = tpu.memref_squeeze %scatter3A_142 : memref<1x128x64xf32, #tpu.memory_space<vmem>> -> memref<128x64xf32, #tpu.memory_space<vmem>>
          tpu.vector_store_idx %scatter3A_143[%add3A_114, %broadcast_in_dim3A_138], %broadcast_in_dim3A_116 masked %eq3A_110 : memref<128x64xf32, #tpu.memory_space<vmem>>[vector<16xi32>, vector<16xi32>], vector<16xf32>, vector<16xi1>
          %broadcast_in_dim3A_144 = arith.constant 4 : i32
          %broadcast_in_dim3A_145 = vector.broadcast %broadcast_in_dim3A_144 : i32 to vector<16xi32>
          %scatter3A_146 = arith.constant 1 : i32
          %scatter3A_147 = arith.constant 0 : i32
          %scatter3A_148 = arith.constant 0 : i32
          %scatter3A_149 = tpu.memref_slice %arg7[%scatter3A_146, %scatter3A_147, %scatter3A_148] : memref<2x128x64xf32, #tpu.memory_space<vmem>> -> memref<1x128x64xf32, #tpu.memory_space<vmem>>
          %scatter3A_150 = tpu.memref_squeeze %scatter3A_149 : memref<1x128x64xf32, #tpu.memory_space<vmem>> -> memref<128x64xf32, #tpu.memory_space<vmem>>
          tpu.vector_store_idx %scatter3A_150[%add3A_114, %broadcast_in_dim3A_145], %broadcast_in_dim3A_116 masked %eq3A_110 : memref<128x64xf32, #tpu.memory_space<vmem>>[vector<16xi32>, vector<16xi32>], vector<16xf32>, vector<16xi1>
          %broadcast_in_dim3A_151 = arith.constant 5 : i32
          %broadcast_in_dim3A_152 = vector.broadcast %broadcast_in_dim3A_151 : i32 to vector<16xi32>
          %scatter3A_153 = arith.constant 1 : i32
          %scatter3A_154 = arith.constant 0 : i32
          %scatter3A_155 = arith.constant 0 : i32
          %scatter3A_156 = tpu.memref_slice %arg7[%scatter3A_153, %scatter3A_154, %scatter3A_155] : memref<2x128x64xf32, #tpu.memory_space<vmem>> -> memref<1x128x64xf32, #tpu.memory_space<vmem>>
          %scatter3A_157 = tpu.memref_squeeze %scatter3A_156 : memref<1x128x64xf32, #tpu.memory_space<vmem>> -> memref<128x64xf32, #tpu.memory_space<vmem>>
          tpu.vector_store_idx %scatter3A_157[%add3A_114, %broadcast_in_dim3A_152], %broadcast_in_dim3A_116 masked %eq3A_110 : memref<128x64xf32, #tpu.memory_space<vmem>>[vector<16xi32>, vector<16xi32>], vector<16xf32>, vector<16xi1>
          %broadcast_in_dim3A_158 = arith.constant 6 : i32
          %broadcast_in_dim3A_159 = vector.broadcast %broadcast_in_dim3A_158 : i32 to vector<16xi32>
          %scatter3A_160 = arith.constant 1 : i32
          %scatter3A_161 = arith.constant 0 : i32
          %scatter3A_162 = arith.constant 0 : i32
          %scatter3A_163 = tpu.memref_slice %arg7[%scatter3A_160, %scatter3A_161, %scatter3A_162] : memref<2x128x64xf32, #tpu.memory_space<vmem>> -> memref<1x128x64xf32, #tpu.memory_space<vmem>>
          %scatter3A_164 = tpu.memref_squeeze %scatter3A_163 : memref<1x128x64xf32, #tpu.memory_space<vmem>> -> memref<128x64xf32, #tpu.memory_space<vmem>>
          tpu.vector_store_idx %scatter3A_164[%add3A_114, %broadcast_in_dim3A_159], %broadcast_in_dim3A_116 masked %eq3A_110 : memref<128x64xf32, #tpu.memory_space<vmem>>[vector<16xi32>, vector<16xi32>], vector<16xf32>, vector<16xi1>
          %broadcast_in_dim3A_165 = arith.constant 7 : i32
          %broadcast_in_dim3A_166 = vector.broadcast %broadcast_in_dim3A_165 : i32 to vector<16xi32>
          %scatter3A_167 = arith.constant 1 : i32
          %scatter3A_168 = arith.constant 0 : i32
          %scatter3A_169 = arith.constant 0 : i32
          %scatter3A_170 = tpu.memref_slice %arg7[%scatter3A_167, %scatter3A_168, %scatter3A_169] : memref<2x128x64xf32, #tpu.memory_space<vmem>> -> memref<1x128x64xf32, #tpu.memory_space<vmem>>
          %scatter3A_171 = tpu.memref_squeeze %scatter3A_170 : memref<1x128x64xf32, #tpu.memory_space<vmem>> -> memref<128x64xf32, #tpu.memory_space<vmem>>
          tpu.vector_store_idx %scatter3A_171[%add3A_114, %broadcast_in_dim3A_166], %broadcast_in_dim3A_116 masked %eq3A_110 : memref<128x64xf32, #tpu.memory_space<vmem>>[vector<16xi32>, vector<16xi32>], vector<16xf32>, vector<16xi1>
          %broadcast_in_dim3A_172 = arith.constant 8 : i32
          %broadcast_in_dim3A_173 = vector.broadcast %broadcast_in_dim3A_172 : i32 to vector<16xi32>
          %scatter3A_174 = arith.constant 1 : i32
          %scatter3A_175 = arith.constant 0 : i32
          %scatter3A_176 = arith.constant 0 : i32
          %scatter3A_177 = tpu.memref_slice %arg7[%scatter3A_174, %scatter3A_175, %scatter3A_176] : memref<2x128x64xf32, #tpu.memory_space<vmem>> -> memref<1x128x64xf32, #tpu.memory_space<vmem>>
          %scatter3A_178 = tpu.memref_squeeze %scatter3A_177 : memref<1x128x64xf32, #tpu.memory_space<vmem>> -> memref<128x64xf32, #tpu.memory_space<vmem>>
          tpu.vector_store_idx %scatter3A_178[%add3A_114, %broadcast_in_dim3A_173], %broadcast_in_dim3A_116 masked %eq3A_110 : memref<128x64xf32, #tpu.memory_space<vmem>>[vector<16xi32>, vector<16xi32>], vector<16xf32>, vector<16xi1>
          %broadcast_in_dim3A_179 = arith.constant 9 : i32
          %broadcast_in_dim3A_180 = vector.broadcast %broadcast_in_dim3A_179 : i32 to vector<16xi32>
          %scatter3A_181 = arith.constant 1 : i32
          %scatter3A_182 = arith.constant 0 : i32
          %scatter3A_183 = arith.constant 0 : i32
          %scatter3A_184 = tpu.memref_slice %arg7[%scatter3A_181, %scatter3A_182, %scatter3A_183] : memref<2x128x64xf32, #tpu.memory_space<vmem>> -> memref<1x128x64xf32, #tpu.memory_space<vmem>>
          %scatter3A_185 = tpu.memref_squeeze %scatter3A_184 : memref<1x128x64xf32, #tpu.memory_space<vmem>> -> memref<128x64xf32, #tpu.memory_space<vmem>>
          tpu.vector_store_idx %scatter3A_185[%add3A_114, %broadcast_in_dim3A_180], %broadcast_in_dim3A_116 masked %eq3A_110 : memref<128x64xf32, #tpu.memory_space<vmem>>[vector<16xi32>, vector<16xi32>], vector<16xf32>, vector<16xi1>
          %broadcast_in_dim3A_186 = arith.constant 10 : i32
          %broadcast_in_dim3A_187 = vector.broadcast %broadcast_in_dim3A_186 : i32 to vector<16xi32>
          %scatter3A_188 = arith.constant 1 : i32
          %scatter3A_189 = arith.constant 0 : i32
          %scatter3A_190 = arith.constant 0 : i32
          %scatter3A_191 = tpu.memref_slice %arg7[%scatter3A_188, %scatter3A_189, %scatter3A_190] : memref<2x128x64xf32, #tpu.memory_space<vmem>> -> memref<1x128x64xf32, #tpu.memory_space<vmem>>
          %scatter3A_192 = tpu.memref_squeeze %scatter3A_191 : memref<1x128x64xf32, #tpu.memory_space<vmem>> -> memref<128x64xf32, #tpu.memory_space<vmem>>
          tpu.vector_store_idx %scatter3A_192[%add3A_114, %broadcast_in_dim3A_187], %broadcast_in_dim3A_116 masked %eq3A_110 : memref<128x64xf32, #tpu.memory_space<vmem>>[vector<16xi32>, vector<16xi32>], vector<16xf32>, vector<16xi1>
          %broadcast_in_dim3A_193 = arith.constant 11 : i32
          %broadcast_in_dim3A_194 = vector.broadcast %broadcast_in_dim3A_193 : i32 to vector<16xi32>
          %scatter3A_195 = arith.constant 1 : i32
          %scatter3A_196 = arith.constant 0 : i32
          %scatter3A_197 = arith.constant 0 : i32
          %scatter3A_198 = tpu.memref_slice %arg7[%scatter3A_195, %scatter3A_196, %scatter3A_197] : memref<2x128x64xf32, #tpu.memory_space<vmem>> -> memref<1x128x64xf32, #tpu.memory_space<vmem>>
          %scatter3A_199 = tpu.memref_squeeze %scatter3A_198 : memref<1x128x64xf32, #tpu.memory_space<vmem>> -> memref<128x64xf32, #tpu.memory_space<vmem>>
          tpu.vector_store_idx %scatter3A_199[%add3A_114, %broadcast_in_dim3A_194], %broadcast_in_dim3A_116 masked %eq3A_110 : memref<128x64xf32, #tpu.memory_space<vmem>>[vector<16xi32>, vector<16xi32>], vector<16xf32>, vector<16xi1>
          %broadcast_in_dim3A_200 = arith.constant 12 : i32
          %broadcast_in_dim3A_201 = vector.broadcast %broadcast_in_dim3A_200 : i32 to vector<16xi32>
          %scatter3A_202 = arith.constant 1 : i32
          %scatter3A_203 = arith.constant 0 : i32
          %scatter3A_204 = arith.constant 0 : i32
          %scatter3A_205 = tpu.memref_slice %arg7[%scatter3A_202, %scatter3A_203, %scatter3A_204] : memref<2x128x64xf32, #tpu.memory_space<vmem>> -> memref<1x128x64xf32, #tpu.memory_space<vmem>>
          %scatter3A_206 = tpu.memref_squeeze %scatter3A_205 : memref<1x128x64xf32, #tpu.memory_space<vmem>> -> memref<128x64xf32, #tpu.memory_space<vmem>>
          tpu.vector_store_idx %scatter3A_206[%add3A_114, %broadcast_in_dim3A_201], %broadcast_in_dim3A_116 masked %eq3A_110 : memref<128x64xf32, #tpu.memory_space<vmem>>[vector<16xi32>, vector<16xi32>], vector<16xf32>, vector<16xi1>
          %broadcast_in_dim3A_207 = arith.constant 13 : i32
          %broadcast_in_dim3A_208 = vector.broadcast %broadcast_in_dim3A_207 : i32 to vector<16xi32>
          %scatter3A_209 = arith.constant 1 : i32
          %scatter3A_210 = arith.constant 0 : i32
          %scatter3A_211 = arith.constant 0 : i32
          %scatter3A_212 = tpu.memref_slice %arg7[%scatter3A_209, %scatter3A_210, %scatter3A_211] : memref<2x128x64xf32, #tpu.memory_space<vmem>> -> memref<1x128x64xf32, #tpu.memory_space<vmem>>
          %scatter3A_213 = tpu.memref_squeeze %scatter3A_212 : memref<1x128x64xf32, #tpu.memory_space<vmem>> -> memref<128x64xf32, #tpu.memory_space<vmem>>
          tpu.vector_store_idx %scatter3A_213[%add3A_114, %broadcast_in_dim3A_208], %broadcast_in_dim3A_116 masked %eq3A_110 : memref<128x64xf32, #tpu.memory_space<vmem>>[vector<16xi32>, vector<16xi32>], vector<16xf32>, vector<16xi1>
          %broadcast_in_dim3A_214 = arith.constant 14 : i32
          %broadcast_in_dim3A_215 = vector.broadcast %broadcast_in_dim3A_214 : i32 to vector<16xi32>
          %scatter3A_216 = arith.constant 1 : i32
          %scatter3A_217 = arith.constant 0 : i32
          %scatter3A_218 = arith.constant 0 : i32
          %scatter3A_219 = tpu.memref_slice %arg7[%scatter3A_216, %scatter3A_217, %scatter3A_218] : memref<2x128x64xf32, #tpu.memory_space<vmem>> -> memref<1x128x64xf32, #tpu.memory_space<vmem>>
          %scatter3A_220 = tpu.memref_squeeze %scatter3A_219 : memref<1x128x64xf32, #tpu.memory_space<vmem>> -> memref<128x64xf32, #tpu.memory_space<vmem>>
          tpu.vector_store_idx %scatter3A_220[%add3A_114, %broadcast_in_dim3A_215], %broadcast_in_dim3A_116 masked %eq3A_110 : memref<128x64xf32, #tpu.memory_space<vmem>>[vector<16xi32>, vector<16xi32>], vector<16xf32>, vector<16xi1>
          %broadcast_in_dim3A_221 = arith.constant 15 : i32
          %broadcast_in_dim3A_222 = vector.broadcast %broadcast_in_dim3A_221 : i32 to vector<16xi32>
          %scatter3A_223 = arith.constant 1 : i32
          %scatter3A_224 = arith.constant 0 : i32
          %scatter3A_225 = arith.constant 0 : i32
          %scatter3A_226 = tpu.memref_slice %arg7[%scatter3A_223, %scatter3A_224, %scatter3A_225] : memref<2x128x64xf32, #tpu.memory_space<vmem>> -> memref<1x128x64xf32, #tpu.memory_space<vmem>>
          %scatter3A_227 = tpu.memref_squeeze %scatter3A_226 : memref<1x128x64xf32, #tpu.memory_space<vmem>> -> memref<128x64xf32, #tpu.memory_space<vmem>>
          tpu.vector_store_idx %scatter3A_227[%add3A_114, %broadcast_in_dim3A_222], %broadcast_in_dim3A_116 masked %eq3A_110 : memref<128x64xf32, #tpu.memory_space<vmem>>[vector<16xi32>, vector<16xi32>], vector<16xf32>, vector<16xi1>
          %broadcast_in_dim3A_228 = arith.constant 16 : i32
          %broadcast_in_dim3A_229 = vector.broadcast %broadcast_in_dim3A_228 : i32 to vector<16xi32>
          %scatter3A_230 = arith.constant 1 : i32
          %scatter3A_231 = arith.constant 0 : i32
          %scatter3A_232 = arith.constant 0 : i32
          %scatter3A_233 = tpu.memref_slice %arg7[%scatter3A_230, %scatter3A_231, %scatter3A_232] : memref<2x128x64xf32, #tpu.memory_space<vmem>> -> memref<1x128x64xf32, #tpu.memory_space<vmem>>
          %scatter3A_234 = tpu.memref_squeeze %scatter3A_233 : memref<1x128x64xf32, #tpu.memory_space<vmem>> -> memref<128x64xf32, #tpu.memory_space<vmem>>
          tpu.vector_store_idx %scatter3A_234[%add3A_114, %broadcast_in_dim3A_229], %broadcast_in_dim3A_116 masked %eq3A_110 : memref<128x64xf32, #tpu.memory_space<vmem>>[vector<16xi32>, vector<16xi32>], vector<16xf32>, vector<16xi1>
          %broadcast_in_dim3A_235 = arith.constant 17 : i32
          %broadcast_in_dim3A_236 = vector.broadcast %broadcast_in_dim3A_235 : i32 to vector<16xi32>
          %scatter3A_237 = arith.constant 1 : i32
          %scatter3A_238 = arith.constant 0 : i32
          %scatter3A_239 = arith.constant 0 : i32
          %scatter3A_240 = tpu.memref_slice %arg7[%scatter3A_237, %scatter3A_238, %scatter3A_239] : memref<2x128x64xf32, #tpu.memory_space<vmem>> -> memref<1x128x64xf32, #tpu.memory_space<vmem>>
          %scatter3A_241 = tpu.memref_squeeze %scatter3A_240 : memref<1x128x64xf32, #tpu.memory_space<vmem>> -> memref<128x64xf32, #tpu.memory_space<vmem>>
          tpu.vector_store_idx %scatter3A_241[%add3A_114, %broadcast_in_dim3A_236], %broadcast_in_dim3A_116 masked %eq3A_110 : memref<128x64xf32, #tpu.memory_space<vmem>>[vector<16xi32>, vector<16xi32>], vector<16xf32>, vector<16xi1>
          %broadcast_in_dim3A_242 = arith.constant 18 : i32
          %broadcast_in_dim3A_243 = vector.broadcast %broadcast_in_dim3A_242 : i32 to vector<16xi32>
          %scatter3A_244 = arith.constant 1 : i32
          %scatter3A_245 = arith.constant 0 : i32
          %scatter3A_246 = arith.constant 0 : i32
          %scatter3A_247 = tpu.memref_slice %arg7[%scatter3A_244, %scatter3A_245, %scatter3A_246] : memref<2x128x64xf32, #tpu.memory_space<vmem>> -> memref<1x128x64xf32, #tpu.memory_space<vmem>>
          %scatter3A_248 = tpu.memref_squeeze %scatter3A_247 : memref<1x128x64xf32, #tpu.memory_space<vmem>> -> memref<128x64xf32, #tpu.memory_space<vmem>>
          tpu.vector_store_idx %scatter3A_248[%add3A_114, %broadcast_in_dim3A_243], %broadcast_in_dim3A_116 masked %eq3A_110 : memref<128x64xf32, #tpu.memory_space<vmem>>[vector<16xi32>, vector<16xi32>], vector<16xf32>, vector<16xi1>
          %broadcast_in_dim3A_249 = arith.constant 19 : i32
          %broadcast_in_dim3A_250 = vector.broadcast %broadcast_in_dim3A_249 : i32 to vector<16xi32>
          %scatter3A_251 = arith.constant 1 : i32
          %scatter3A_252 = arith.constant 0 : i32
          %scatter3A_253 = arith.constant 0 : i32
          %scatter3A_254 = tpu.memref_slice %arg7[%scatter3A_251, %scatter3A_252, %scatter3A_253] : memref<2x128x64xf32, #tpu.memory_space<vmem>> -> memref<1x128x64xf32, #tpu.memory_space<vmem>>
          %scatter3A_255 = tpu.memref_squeeze %scatter3A_254 : memref<1x128x64xf32, #tpu.memory_space<vmem>> -> memref<128x64xf32, #tpu.memory_space<vmem>>
          tpu.vector_store_idx %scatter3A_255[%add3A_114, %broadcast_in_dim3A_250], %broadcast_in_dim3A_116 masked %eq3A_110 : memref<128x64xf32, #tpu.memory_space<vmem>>[vector<16xi32>, vector<16xi32>], vector<16xf32>, vector<16xi1>
          %broadcast_in_dim3A_256 = arith.constant 20 : i32
          %broadcast_in_dim3A_257 = vector.broadcast %broadcast_in_dim3A_256 : i32 to vector<16xi32>
          %scatter3A_258 = arith.constant 1 : i32
          %scatter3A_259 = arith.constant 0 : i32
          %scatter3A_260 = arith.constant 0 : i32
          %scatter3A_261 = tpu.memref_slice %arg7[%scatter3A_258, %scatter3A_259, %scatter3A_260] : memref<2x128x64xf32, #tpu.memory_space<vmem>> -> memref<1x128x64xf32, #tpu.memory_space<vmem>>
          %scatter3A_262 = tpu.memref_squeeze %scatter3A_261 : memref<1x128x64xf32, #tpu.memory_space<vmem>> -> memref<128x64xf32, #tpu.memory_space<vmem>>
          tpu.vector_store_idx %scatter3A_262[%add3A_114, %broadcast_in_dim3A_257], %broadcast_in_dim3A_116 masked %eq3A_110 : memref<128x64xf32, #tpu.memory_space<vmem>>[vector<16xi32>, vector<16xi32>], vector<16xf32>, vector<16xi1>
          %broadcast_in_dim3A_263 = arith.constant 21 : i32
          %broadcast_in_dim3A_264 = vector.broadcast %broadcast_in_dim3A_263 : i32 to vector<16xi32>
          %scatter3A_265 = arith.constant 1 : i32
          %scatter3A_266 = arith.constant 0 : i32
          %scatter3A_267 = arith.constant 0 : i32
          %scatter3A_268 = tpu.memref_slice %arg7[%scatter3A_265, %scatter3A_266, %scatter3A_267] : memref<2x128x64xf32, #tpu.memory_space<vmem>> -> memref<1x128x64xf32, #tpu.memory_space<vmem>>
          %scatter3A_269 = tpu.memref_squeeze %scatter3A_268 : memref<1x128x64xf32, #tpu.memory_space<vmem>> -> memref<128x64xf32, #tpu.memory_space<vmem>>
          tpu.vector_store_idx %scatter3A_269[%add3A_114, %broadcast_in_dim3A_264], %broadcast_in_dim3A_116 masked %eq3A_110 : memref<128x64xf32, #tpu.memory_space<vmem>>[vector<16xi32>, vector<16xi32>], vector<16xf32>, vector<16xi1>
          %broadcast_in_dim3A_270 = arith.constant 22 : i32
          %broadcast_in_dim3A_271 = vector.broadcast %broadcast_in_dim3A_270 : i32 to vector<16xi32>
          %scatter3A_272 = arith.constant 1 : i32
          %scatter3A_273 = arith.constant 0 : i32
          %scatter3A_274 = arith.constant 0 : i32
          %scatter3A_275 = tpu.memref_slice %arg7[%scatter3A_272, %scatter3A_273, %scatter3A_274] : memref<2x128x64xf32, #tpu.memory_space<vmem>> -> memref<1x128x64xf32, #tpu.memory_space<vmem>>
          %scatter3A_276 = tpu.memref_squeeze %scatter3A_275 : memref<1x128x64xf32, #tpu.memory_space<vmem>> -> memref<128x64xf32, #tpu.memory_space<vmem>>
          tpu.vector_store_idx %scatter3A_276[%add3A_114, %broadcast_in_dim3A_271], %broadcast_in_dim3A_116 masked %eq3A_110 : memref<128x64xf32, #tpu.memory_space<vmem>>[vector<16xi32>, vector<16xi32>], vector<16xf32>, vector<16xi1>
          %broadcast_in_dim3A_277 = arith.constant 23 : i32
          %broadcast_in_dim3A_278 = vector.broadcast %broadcast_in_dim3A_277 : i32 to vector<16xi32>
          %scatter3A_279 = arith.constant 1 : i32
          %scatter3A_280 = arith.constant 0 : i32
          %scatter3A_281 = arith.constant 0 : i32
          %scatter3A_282 = tpu.memref_slice %arg7[%scatter3A_279, %scatter3A_280, %scatter3A_281] : memref<2x128x64xf32, #tpu.memory_space<vmem>> -> memref<1x128x64xf32, #tpu.memory_space<vmem>>
          %scatter3A_283 = tpu.memref_squeeze %scatter3A_282 : memref<1x128x64xf32, #tpu.memory_space<vmem>> -> memref<128x64xf32, #tpu.memory_space<vmem>>
          tpu.vector_store_idx %scatter3A_283[%add3A_114, %broadcast_in_dim3A_278], %broadcast_in_dim3A_116 masked %eq3A_110 : memref<128x64xf32, #tpu.memory_space<vmem>>[vector<16xi32>, vector<16xi32>], vector<16xf32>, vector<16xi1>
          %broadcast_in_dim3A_284 = arith.constant 24 : i32
          %broadcast_in_dim3A_285 = vector.broadcast %broadcast_in_dim3A_284 : i32 to vector<16xi32>
          %scatter3A_286 = arith.constant 1 : i32
          %scatter3A_287 = arith.constant 0 : i32
          %scatter3A_288 = arith.constant 0 : i32
          %scatter3A_289 = tpu.memref_slice %arg7[%scatter3A_286, %scatter3A_287, %scatter3A_288] : memref<2x128x64xf32, #tpu.memory_space<vmem>> -> memref<1x128x64xf32, #tpu.memory_space<vmem>>
          %scatter3A_290 = tpu.memref_squeeze %scatter3A_289 : memref<1x128x64xf32, #tpu.memory_space<vmem>> -> memref<128x64xf32, #tpu.memory_space<vmem>>
          tpu.vector_store_idx %scatter3A_290[%add3A_114, %broadcast_in_dim3A_285], %broadcast_in_dim3A_116 masked %eq3A_110 : memref<128x64xf32, #tpu.memory_space<vmem>>[vector<16xi32>, vector<16xi32>], vector<16xf32>, vector<16xi1>
          %broadcast_in_dim3A_291 = arith.constant 25 : i32
          %broadcast_in_dim3A_292 = vector.broadcast %broadcast_in_dim3A_291 : i32 to vector<16xi32>
          %scatter3A_293 = arith.constant 1 : i32
          %scatter3A_294 = arith.constant 0 : i32
          %scatter3A_295 = arith.constant 0 : i32
          %scatter3A_296 = tpu.memref_slice %arg7[%scatter3A_293, %scatter3A_294, %scatter3A_295] : memref<2x128x64xf32, #tpu.memory_space<vmem>> -> memref<1x128x64xf32, #tpu.memory_space<vmem>>
          %scatter3A_297 = tpu.memref_squeeze %scatter3A_296 : memref<1x128x64xf32, #tpu.memory_space<vmem>> -> memref<128x64xf32, #tpu.memory_space<vmem>>
          tpu.vector_store_idx %scatter3A_297[%add3A_114, %broadcast_in_dim3A_292], %broadcast_in_dim3A_116 masked %eq3A_110 : memref<128x64xf32, #tpu.memory_space<vmem>>[vector<16xi32>, vector<16xi32>], vector<16xf32>, vector<16xi1>
          %broadcast_in_dim3A_298 = arith.constant 26 : i32
          %broadcast_in_dim3A_299 = vector.broadcast %broadcast_in_dim3A_298 : i32 to vector<16xi32>
          %scatter3A_300 = arith.constant 1 : i32
          %scatter3A_301 = arith.constant 0 : i32
          %scatter3A_302 = arith.constant 0 : i32
          %scatter3A_303 = tpu.memref_slice %arg7[%scatter3A_300, %scatter3A_301, %scatter3A_302] : memref<2x128x64xf32, #tpu.memory_space<vmem>> -> memref<1x128x64xf32, #tpu.memory_space<vmem>>
          %scatter3A_304 = tpu.memref_squeeze %scatter3A_303 : memref<1x128x64xf32, #tpu.memory_space<vmem>> -> memref<128x64xf32, #tpu.memory_space<vmem>>
          tpu.vector_store_idx %scatter3A_304[%add3A_114, %broadcast_in_dim3A_299], %broadcast_in_dim3A_116 masked %eq3A_110 : memref<128x64xf32, #tpu.memory_space<vmem>>[vector<16xi32>, vector<16xi32>], vector<16xf32>, vector<16xi1>
          %broadcast_in_dim3A_305 = arith.constant 27 : i32
          %broadcast_in_dim3A_306 = vector.broadcast %broadcast_in_dim3A_305 : i32 to vector<16xi32>
          %scatter3A_307 = arith.constant 1 : i32
          %scatter3A_308 = arith.constant 0 : i32
          %scatter3A_309 = arith.constant 0 : i32
          %scatter3A_310 = tpu.memref_slice %arg7[%scatter3A_307, %scatter3A_308, %scatter3A_309] : memref<2x128x64xf32, #tpu.memory_space<vmem>> -> memref<1x128x64xf32, #tpu.memory_space<vmem>>
          %scatter3A_311 = tpu.memref_squeeze %scatter3A_310 : memref<1x128x64xf32, #tpu.memory_space<vmem>> -> memref<128x64xf32, #tpu.memory_space<vmem>>
          tpu.vector_store_idx %scatter3A_311[%add3A_114, %broadcast_in_dim3A_306], %broadcast_in_dim3A_116 masked %eq3A_110 : memref<128x64xf32, #tpu.memory_space<vmem>>[vector<16xi32>, vector<16xi32>], vector<16xf32>, vector<16xi1>
          %broadcast_in_dim3A_312 = arith.constant 28 : i32
          %broadcast_in_dim3A_313 = vector.broadcast %broadcast_in_dim3A_312 : i32 to vector<16xi32>
          %scatter3A_314 = arith.constant 1 : i32
          %scatter3A_315 = arith.constant 0 : i32
          %scatter3A_316 = arith.constant 0 : i32
          %scatter3A_317 = tpu.memref_slice %arg7[%scatter3A_314, %scatter3A_315, %scatter3A_316] : memref<2x128x64xf32, #tpu.memory_space<vmem>> -> memref<1x128x64xf32, #tpu.memory_space<vmem>>
          %scatter3A_318 = tpu.memref_squeeze %scatter3A_317 : memref<1x128x64xf32, #tpu.memory_space<vmem>> -> memref<128x64xf32, #tpu.memory_space<vmem>>
          tpu.vector_store_idx %scatter3A_318[%add3A_114, %broadcast_in_dim3A_313], %broadcast_in_dim3A_116 masked %eq3A_110 : memref<128x64xf32, #tpu.memory_space<vmem>>[vector<16xi32>, vector<16xi32>], vector<16xf32>, vector<16xi1>
          %broadcast_in_dim3A_319 = arith.constant 29 : i32
          %broadcast_in_dim3A_320 = vector.broadcast %broadcast_in_dim3A_319 : i32 to vector<16xi32>
          %scatter3A_321 = arith.constant 1 : i32
          %scatter3A_322 = arith.constant 0 : i32
          %scatter3A_323 = arith.constant 0 : i32
          %scatter3A_324 = tpu.memref_slice %arg7[%scatter3A_321, %scatter3A_322, %scatter3A_323] : memref<2x128x64xf32, #tpu.memory_space<vmem>> -> memref<1x128x64xf32, #tpu.memory_space<vmem>>
          %scatter3A_325 = tpu.memref_squeeze %scatter3A_324 : memref<1x128x64xf32, #tpu.memory_space<vmem>> -> memref<128x64xf32, #tpu.memory_space<vmem>>
          tpu.vector_store_idx %scatter3A_325[%add3A_114, %broadcast_in_dim3A_320], %broadcast_in_dim3A_116 masked %eq3A_110 : memref<128x64xf32, #tpu.memory_space<vmem>>[vector<16xi32>, vector<16xi32>], vector<16xf32>, vector<16xi1>
          %broadcast_in_dim3A_326 = arith.constant 30 : i32
          %broadcast_in_dim3A_327 = vector.broadcast %broadcast_in_dim3A_326 : i32 to vector<16xi32>
          %scatter3A_328 = arith.constant 1 : i32
          %scatter3A_329 = arith.constant 0 : i32
          %scatter3A_330 = arith.constant 0 : i32
          %scatter3A_331 = tpu.memref_slice %arg7[%scatter3A_328, %scatter3A_329, %scatter3A_330] : memref<2x128x64xf32, #tpu.memory_space<vmem>> -> memref<1x128x64xf32, #tpu.memory_space<vmem>>
          %scatter3A_332 = tpu.memref_squeeze %scatter3A_331 : memref<1x128x64xf32, #tpu.memory_space<vmem>> -> memref<128x64xf32, #tpu.memory_space<vmem>>
          tpu.vector_store_idx %scatter3A_332[%add3A_114, %broadcast_in_dim3A_327], %broadcast_in_dim3A_116 masked %eq3A_110 : memref<128x64xf32, #tpu.memory_space<vmem>>[vector<16xi32>, vector<16xi32>], vector<16xf32>, vector<16xi1>
          %broadcast_in_dim3A_333 = arith.constant 31 : i32
          %broadcast_in_dim3A_334 = vector.broadcast %broadcast_in_dim3A_333 : i32 to vector<16xi32>
          %scatter3A_335 = arith.constant 1 : i32
          %scatter3A_336 = arith.constant 0 : i32
          %scatter3A_337 = arith.constant 0 : i32
          %scatter3A_338 = tpu.memref_slice %arg7[%scatter3A_335, %scatter3A_336, %scatter3A_337] : memref<2x128x64xf32, #tpu.memory_space<vmem>> -> memref<1x128x64xf32, #tpu.memory_space<vmem>>
          %scatter3A_339 = tpu.memref_squeeze %scatter3A_338 : memref<1x128x64xf32, #tpu.memory_space<vmem>> -> memref<128x64xf32, #tpu.memory_space<vmem>>
          tpu.vector_store_idx %scatter3A_339[%add3A_114, %broadcast_in_dim3A_334], %broadcast_in_dim3A_116 masked %eq3A_110 : memref<128x64xf32, #tpu.memory_space<vmem>>[vector<16xi32>, vector<16xi32>], vector<16xf32>, vector<16xi1>
          %broadcast_in_dim3A_340 = arith.constant 32 : i32
          %broadcast_in_dim3A_341 = vector.broadcast %broadcast_in_dim3A_340 : i32 to vector<16xi32>
          %scatter3A_342 = arith.constant 1 : i32
          %scatter3A_343 = arith.constant 0 : i32
          %scatter3A_344 = arith.constant 0 : i32
          %scatter3A_345 = tpu.memref_slice %arg7[%scatter3A_342, %scatter3A_343, %scatter3A_344] : memref<2x128x64xf32, #tpu.memory_space<vmem>> -> memref<1x128x64xf32, #tpu.memory_space<vmem>>
          %scatter3A_346 = tpu.memref_squeeze %scatter3A_345 : memref<1x128x64xf32, #tpu.memory_space<vmem>> -> memref<128x64xf32, #tpu.memory_space<vmem>>
          tpu.vector_store_idx %scatter3A_346[%add3A_114, %broadcast_in_dim3A_341], %broadcast_in_dim3A_116 masked %eq3A_110 : memref<128x64xf32, #tpu.memory_space<vmem>>[vector<16xi32>, vector<16xi32>], vector<16xf32>, vector<16xi1>
          %broadcast_in_dim3A_347 = arith.constant 33 : i32
          %broadcast_in_dim3A_348 = vector.broadcast %broadcast_in_dim3A_347 : i32 to vector<16xi32>
          %scatter3A_349 = arith.constant 1 : i32
          %scatter3A_350 = arith.constant 0 : i32
          %scatter3A_351 = arith.constant 0 : i32
          %scatter3A_352 = tpu.memref_slice %arg7[%scatter3A_349, %scatter3A_350, %scatter3A_351] : memref<2x128x64xf32, #tpu.memory_space<vmem>> -> memref<1x128x64xf32, #tpu.memory_space<vmem>>
          %scatter3A_353 = tpu.memref_squeeze %scatter3A_352 : memref<1x128x64xf32, #tpu.memory_space<vmem>> -> memref<128x64xf32, #tpu.memory_space<vmem>>
          tpu.vector_store_idx %scatter3A_353[%add3A_114, %broadcast_in_dim3A_348], %broadcast_in_dim3A_116 masked %eq3A_110 : memref<128x64xf32, #tpu.memory_space<vmem>>[vector<16xi32>, vector<16xi32>], vector<16xf32>, vector<16xi1>
          %broadcast_in_dim3A_354 = arith.constant 34 : i32
          %broadcast_in_dim3A_355 = vector.broadcast %broadcast_in_dim3A_354 : i32 to vector<16xi32>
          %scatter3A_356 = arith.constant 1 : i32
          %scatter3A_357 = arith.constant 0 : i32
          %scatter3A_358 = arith.constant 0 : i32
          %scatter3A_359 = tpu.memref_slice %arg7[%scatter3A_356, %scatter3A_357, %scatter3A_358] : memref<2x128x64xf32, #tpu.memory_space<vmem>> -> memref<1x128x64xf32, #tpu.memory_space<vmem>>
          %scatter3A_360 = tpu.memref_squeeze %scatter3A_359 : memref<1x128x64xf32, #tpu.memory_space<vmem>> -> memref<128x64xf32, #tpu.memory_space<vmem>>
          tpu.vector_store_idx %scatter3A_360[%add3A_114, %broadcast_in_dim3A_355], %broadcast_in_dim3A_116 masked %eq3A_110 : memref<128x64xf32, #tpu.memory_space<vmem>>[vector<16xi32>, vector<16xi32>], vector<16xf32>, vector<16xi1>
          %broadcast_in_dim3A_361 = arith.constant 35 : i32
          %broadcast_in_dim3A_362 = vector.broadcast %broadcast_in_dim3A_361 : i32 to vector<16xi32>
          %scatter3A_363 = arith.constant 1 : i32
          %scatter3A_364 = arith.constant 0 : i32
          %scatter3A_365 = arith.constant 0 : i32
          %scatter3A_366 = tpu.memref_slice %arg7[%scatter3A_363, %scatter3A_364, %scatter3A_365] : memref<2x128x64xf32, #tpu.memory_space<vmem>> -> memref<1x128x64xf32, #tpu.memory_space<vmem>>
          %scatter3A_367 = tpu.memref_squeeze %scatter3A_366 : memref<1x128x64xf32, #tpu.memory_space<vmem>> -> memref<128x64xf32, #tpu.memory_space<vmem>>
          tpu.vector_store_idx %scatter3A_367[%add3A_114, %broadcast_in_dim3A_362], %broadcast_in_dim3A_116 masked %eq3A_110 : memref<128x64xf32, #tpu.memory_space<vmem>>[vector<16xi32>, vector<16xi32>], vector<16xf32>, vector<16xi1>
          %broadcast_in_dim3A_368 = arith.constant 36 : i32
          %broadcast_in_dim3A_369 = vector.broadcast %broadcast_in_dim3A_368 : i32 to vector<16xi32>
          %scatter3A_370 = arith.constant 1 : i32
          %scatter3A_371 = arith.constant 0 : i32
          %scatter3A_372 = arith.constant 0 : i32
          %scatter3A_373 = tpu.memref_slice %arg7[%scatter3A_370, %scatter3A_371, %scatter3A_372] : memref<2x128x64xf32, #tpu.memory_space<vmem>> -> memref<1x128x64xf32, #tpu.memory_space<vmem>>
          %scatter3A_374 = tpu.memref_squeeze %scatter3A_373 : memref<1x128x64xf32, #tpu.memory_space<vmem>> -> memref<128x64xf32, #tpu.memory_space<vmem>>
          tpu.vector_store_idx %scatter3A_374[%add3A_114, %broadcast_in_dim3A_369], %broadcast_in_dim3A_116 masked %eq3A_110 : memref<128x64xf32, #tpu.memory_space<vmem>>[vector<16xi32>, vector<16xi32>], vector<16xf32>, vector<16xi1>
          %broadcast_in_dim3A_375 = arith.constant 37 : i32
          %broadcast_in_dim3A_376 = vector.broadcast %broadcast_in_dim3A_375 : i32 to vector<16xi32>
          %scatter3A_377 = arith.constant 1 : i32
          %scatter3A_378 = arith.constant 0 : i32
          %scatter3A_379 = arith.constant 0 : i32
          %scatter3A_380 = tpu.memref_slice %arg7[%scatter3A_377, %scatter3A_378, %scatter3A_379] : memref<2x128x64xf32, #tpu.memory_space<vmem>> -> memref<1x128x64xf32, #tpu.memory_space<vmem>>
          %scatter3A_381 = tpu.memref_squeeze %scatter3A_380 : memref<1x128x64xf32, #tpu.memory_space<vmem>> -> memref<128x64xf32, #tpu.memory_space<vmem>>
          tpu.vector_store_idx %scatter3A_381[%add3A_114, %broadcast_in_dim3A_376], %broadcast_in_dim3A_116 masked %eq3A_110 : memref<128x64xf32, #tpu.memory_space<vmem>>[vector<16xi32>, vector<16xi32>], vector<16xf32>, vector<16xi1>
          %broadcast_in_dim3A_382 = arith.constant 38 : i32
          %broadcast_in_dim3A_383 = vector.broadcast %broadcast_in_dim3A_382 : i32 to vector<16xi32>
          %scatter3A_384 = arith.constant 1 : i32
          %scatter3A_385 = arith.constant 0 : i32
          %scatter3A_386 = arith.constant 0 : i32
          %scatter3A_387 = tpu.memref_slice %arg7[%scatter3A_384, %scatter3A_385, %scatter3A_386] : memref<2x128x64xf32, #tpu.memory_space<vmem>> -> memref<1x128x64xf32, #tpu.memory_space<vmem>>
          %scatter3A_388 = tpu.memref_squeeze %scatter3A_387 : memref<1x128x64xf32, #tpu.memory_space<vmem>> -> memref<128x64xf32, #tpu.memory_space<vmem>>
          tpu.vector_store_idx %scatter3A_388[%add3A_114, %broadcast_in_dim3A_383], %broadcast_in_dim3A_116 masked %eq3A_110 : memref<128x64xf32, #tpu.memory_space<vmem>>[vector<16xi32>, vector<16xi32>], vector<16xf32>, vector<16xi1>
          %broadcast_in_dim3A_389 = arith.constant 39 : i32
          %broadcast_in_dim3A_390 = vector.broadcast %broadcast_in_dim3A_389 : i32 to vector<16xi32>
          %scatter3A_391 = arith.constant 1 : i32
          %scatter3A_392 = arith.constant 0 : i32
          %scatter3A_393 = arith.constant 0 : i32
          %scatter3A_394 = tpu.memref_slice %arg7[%scatter3A_391, %scatter3A_392, %scatter3A_393] : memref<2x128x64xf32, #tpu.memory_space<vmem>> -> memref<1x128x64xf32, #tpu.memory_space<vmem>>
          %scatter3A_395 = tpu.memref_squeeze %scatter3A_394 : memref<1x128x64xf32, #tpu.memory_space<vmem>> -> memref<128x64xf32, #tpu.memory_space<vmem>>
          tpu.vector_store_idx %scatter3A_395[%add3A_114, %broadcast_in_dim3A_390], %broadcast_in_dim3A_116 masked %eq3A_110 : memref<128x64xf32, #tpu.memory_space<vmem>>[vector<16xi32>, vector<16xi32>], vector<16xf32>, vector<16xi1>
          %broadcast_in_dim3A_396 = arith.constant 40 : i32
          %broadcast_in_dim3A_397 = vector.broadcast %broadcast_in_dim3A_396 : i32 to vector<16xi32>
          %scatter3A_398 = arith.constant 1 : i32
          %scatter3A_399 = arith.constant 0 : i32
          %scatter3A_400 = arith.constant 0 : i32
          %scatter3A_401 = tpu.memref_slice %arg7[%scatter3A_398, %scatter3A_399, %scatter3A_400] : memref<2x128x64xf32, #tpu.memory_space<vmem>> -> memref<1x128x64xf32, #tpu.memory_space<vmem>>
          %scatter3A_402 = tpu.memref_squeeze %scatter3A_401 : memref<1x128x64xf32, #tpu.memory_space<vmem>> -> memref<128x64xf32, #tpu.memory_space<vmem>>
          tpu.vector_store_idx %scatter3A_402[%add3A_114, %broadcast_in_dim3A_397], %broadcast_in_dim3A_116 masked %eq3A_110 : memref<128x64xf32, #tpu.memory_space<vmem>>[vector<16xi32>, vector<16xi32>], vector<16xf32>, vector<16xi1>
          %broadcast_in_dim3A_403 = arith.constant 41 : i32
          %broadcast_in_dim3A_404 = vector.broadcast %broadcast_in_dim3A_403 : i32 to vector<16xi32>
          %scatter3A_405 = arith.constant 1 : i32
          %scatter3A_406 = arith.constant 0 : i32
          %scatter3A_407 = arith.constant 0 : i32
          %scatter3A_408 = tpu.memref_slice %arg7[%scatter3A_405, %scatter3A_406, %scatter3A_407] : memref<2x128x64xf32, #tpu.memory_space<vmem>> -> memref<1x128x64xf32, #tpu.memory_space<vmem>>
          %scatter3A_409 = tpu.memref_squeeze %scatter3A_408 : memref<1x128x64xf32, #tpu.memory_space<vmem>> -> memref<128x64xf32, #tpu.memory_space<vmem>>
          tpu.vector_store_idx %scatter3A_409[%add3A_114, %broadcast_in_dim3A_404], %broadcast_in_dim3A_116 masked %eq3A_110 : memref<128x64xf32, #tpu.memory_space<vmem>>[vector<16xi32>, vector<16xi32>], vector<16xf32>, vector<16xi1>
          %broadcast_in_dim3A_410 = arith.constant 42 : i32
          %broadcast_in_dim3A_411 = vector.broadcast %broadcast_in_dim3A_410 : i32 to vector<16xi32>
          %scatter3A_412 = arith.constant 1 : i32
          %scatter3A_413 = arith.constant 0 : i32
          %scatter3A_414 = arith.constant 0 : i32
          %scatter3A_415 = tpu.memref_slice %arg7[%scatter3A_412, %scatter3A_413, %scatter3A_414] : memref<2x128x64xf32, #tpu.memory_space<vmem>> -> memref<1x128x64xf32, #tpu.memory_space<vmem>>
          %scatter3A_416 = tpu.memref_squeeze %scatter3A_415 : memref<1x128x64xf32, #tpu.memory_space<vmem>> -> memref<128x64xf32, #tpu.memory_space<vmem>>
          tpu.vector_store_idx %scatter3A_416[%add3A_114, %broadcast_in_dim3A_411], %broadcast_in_dim3A_116 masked %eq3A_110 : memref<128x64xf32, #tpu.memory_space<vmem>>[vector<16xi32>, vector<16xi32>], vector<16xf32>, vector<16xi1>
          %broadcast_in_dim3A_417 = arith.constant 43 : i32
          %broadcast_in_dim3A_418 = vector.broadcast %broadcast_in_dim3A_417 : i32 to vector<16xi32>
          %scatter3A_419 = arith.constant 1 : i32
          %scatter3A_420 = arith.constant 0 : i32
          %scatter3A_421 = arith.constant 0 : i32
          %scatter3A_422 = tpu.memref_slice %arg7[%scatter3A_419, %scatter3A_420, %scatter3A_421] : memref<2x128x64xf32, #tpu.memory_space<vmem>> -> memref<1x128x64xf32, #tpu.memory_space<vmem>>
          %scatter3A_423 = tpu.memref_squeeze %scatter3A_422 : memref<1x128x64xf32, #tpu.memory_space<vmem>> -> memref<128x64xf32, #tpu.memory_space<vmem>>
          tpu.vector_store_idx %scatter3A_423[%add3A_114, %broadcast_in_dim3A_418], %broadcast_in_dim3A_116 masked %eq3A_110 : memref<128x64xf32, #tpu.memory_space<vmem>>[vector<16xi32>, vector<16xi32>], vector<16xf32>, vector<16xi1>
          %broadcast_in_dim3A_424 = arith.constant 44 : i32
          %broadcast_in_dim3A_425 = vector.broadcast %broadcast_in_dim3A_424 : i32 to vector<16xi32>
          %scatter3A_426 = arith.constant 1 : i32
          %scatter3A_427 = arith.constant 0 : i32
          %scatter3A_428 = arith.constant 0 : i32
          %scatter3A_429 = tpu.memref_slice %arg7[%scatter3A_426, %scatter3A_427, %scatter3A_428] : memref<2x128x64xf32, #tpu.memory_space<vmem>> -> memref<1x128x64xf32, #tpu.memory_space<vmem>>
          %scatter3A_430 = tpu.memref_squeeze %scatter3A_429 : memref<1x128x64xf32, #tpu.memory_space<vmem>> -> memref<128x64xf32, #tpu.memory_space<vmem>>
          tpu.vector_store_idx %scatter3A_430[%add3A_114, %broadcast_in_dim3A_425], %broadcast_in_dim3A_116 masked %eq3A_110 : memref<128x64xf32, #tpu.memory_space<vmem>>[vector<16xi32>, vector<16xi32>], vector<16xf32>, vector<16xi1>
          %broadcast_in_dim3A_431 = arith.constant 45 : i32
          %broadcast_in_dim3A_432 = vector.broadcast %broadcast_in_dim3A_431 : i32 to vector<16xi32>
          %scatter3A_433 = arith.constant 1 : i32
          %scatter3A_434 = arith.constant 0 : i32
          %scatter3A_435 = arith.constant 0 : i32
          %scatter3A_436 = tpu.memref_slice %arg7[%scatter3A_433, %scatter3A_434, %scatter3A_435] : memref<2x128x64xf32, #tpu.memory_space<vmem>> -> memref<1x128x64xf32, #tpu.memory_space<vmem>>
          %scatter3A_437 = tpu.memref_squeeze %scatter3A_436 : memref<1x128x64xf32, #tpu.memory_space<vmem>> -> memref<128x64xf32, #tpu.memory_space<vmem>>
          tpu.vector_store_idx %scatter3A_437[%add3A_114, %broadcast_in_dim3A_432], %broadcast_in_dim3A_116 masked %eq3A_110 : memref<128x64xf32, #tpu.memory_space<vmem>>[vector<16xi32>, vector<16xi32>], vector<16xf32>, vector<16xi1>
          %broadcast_in_dim3A_438 = arith.constant 46 : i32
          %broadcast_in_dim3A_439 = vector.broadcast %broadcast_in_dim3A_438 : i32 to vector<16xi32>
          %scatter3A_440 = arith.constant 1 : i32
          %scatter3A_441 = arith.constant 0 : i32
          %scatter3A_442 = arith.constant 0 : i32
          %scatter3A_443 = tpu.memref_slice %arg7[%scatter3A_440, %scatter3A_441, %scatter3A_442] : memref<2x128x64xf32, #tpu.memory_space<vmem>> -> memref<1x128x64xf32, #tpu.memory_space<vmem>>
          %scatter3A_444 = tpu.memref_squeeze %scatter3A_443 : memref<1x128x64xf32, #tpu.memory_space<vmem>> -> memref<128x64xf32, #tpu.memory_space<vmem>>
          tpu.vector_store_idx %scatter3A_444[%add3A_114, %broadcast_in_dim3A_439], %broadcast_in_dim3A_116 masked %eq3A_110 : memref<128x64xf32, #tpu.memory_space<vmem>>[vector<16xi32>, vector<16xi32>], vector<16xf32>, vector<16xi1>
          %broadcast_in_dim3A_445 = arith.constant 47 : i32
          %broadcast_in_dim3A_446 = vector.broadcast %broadcast_in_dim3A_445 : i32 to vector<16xi32>
          %scatter3A_447 = arith.constant 1 : i32
          %scatter3A_448 = arith.constant 0 : i32
          %scatter3A_449 = arith.constant 0 : i32
          %scatter3A_450 = tpu.memref_slice %arg7[%scatter3A_447, %scatter3A_448, %scatter3A_449] : memref<2x128x64xf32, #tpu.memory_space<vmem>> -> memref<1x128x64xf32, #tpu.memory_space<vmem>>
          %scatter3A_451 = tpu.memref_squeeze %scatter3A_450 : memref<1x128x64xf32, #tpu.memory_space<vmem>> -> memref<128x64xf32, #tpu.memory_space<vmem>>
          tpu.vector_store_idx %scatter3A_451[%add3A_114, %broadcast_in_dim3A_446], %broadcast_in_dim3A_116 masked %eq3A_110 : memref<128x64xf32, #tpu.memory_space<vmem>>[vector<16xi32>, vector<16xi32>], vector<16xf32>, vector<16xi1>
          %broadcast_in_dim3A_452 = arith.constant 48 : i32
          %broadcast_in_dim3A_453 = vector.broadcast %broadcast_in_dim3A_452 : i32 to vector<16xi32>
          %scatter3A_454 = arith.constant 1 : i32
          %scatter3A_455 = arith.constant 0 : i32
          %scatter3A_456 = arith.constant 0 : i32
          %scatter3A_457 = tpu.memref_slice %arg7[%scatter3A_454, %scatter3A_455, %scatter3A_456] : memref<2x128x64xf32, #tpu.memory_space<vmem>> -> memref<1x128x64xf32, #tpu.memory_space<vmem>>
          %scatter3A_458 = tpu.memref_squeeze %scatter3A_457 : memref<1x128x64xf32, #tpu.memory_space<vmem>> -> memref<128x64xf32, #tpu.memory_space<vmem>>
          tpu.vector_store_idx %scatter3A_458[%add3A_114, %broadcast_in_dim3A_453], %broadcast_in_dim3A_116 masked %eq3A_110 : memref<128x64xf32, #tpu.memory_space<vmem>>[vector<16xi32>, vector<16xi32>], vector<16xf32>, vector<16xi1>
          %broadcast_in_dim3A_459 = arith.constant 49 : i32
          %broadcast_in_dim3A_460 = vector.broadcast %broadcast_in_dim3A_459 : i32 to vector<16xi32>
          %scatter3A_461 = arith.constant 1 : i32
          %scatter3A_462 = arith.constant 0 : i32
          %scatter3A_463 = arith.constant 0 : i32
          %scatter3A_464 = tpu.memref_slice %arg7[%scatter3A_461, %scatter3A_462, %scatter3A_463] : memref<2x128x64xf32, #tpu.memory_space<vmem>> -> memref<1x128x64xf32, #tpu.memory_space<vmem>>
          %scatter3A_465 = tpu.memref_squeeze %scatter3A_464 : memref<1x128x64xf32, #tpu.memory_space<vmem>> -> memref<128x64xf32, #tpu.memory_space<vmem>>
          tpu.vector_store_idx %scatter3A_465[%add3A_114, %broadcast_in_dim3A_460], %broadcast_in_dim3A_116 masked %eq3A_110 : memref<128x64xf32, #tpu.memory_space<vmem>>[vector<16xi32>, vector<16xi32>], vector<16xf32>, vector<16xi1>
          %broadcast_in_dim3A_466 = arith.constant 50 : i32
          %broadcast_in_dim3A_467 = vector.broadcast %broadcast_in_dim3A_466 : i32 to vector<16xi32>
          %scatter3A_468 = arith.constant 1 : i32
          %scatter3A_469 = arith.constant 0 : i32
          %scatter3A_470 = arith.constant 0 : i32
          %scatter3A_471 = tpu.memref_slice %arg7[%scatter3A_468, %scatter3A_469, %scatter3A_470] : memref<2x128x64xf32, #tpu.memory_space<vmem>> -> memref<1x128x64xf32, #tpu.memory_space<vmem>>
          %scatter3A_472 = tpu.memref_squeeze %scatter3A_471 : memref<1x128x64xf32, #tpu.memory_space<vmem>> -> memref<128x64xf32, #tpu.memory_space<vmem>>
          tpu.vector_store_idx %scatter3A_472[%add3A_114, %broadcast_in_dim3A_467], %broadcast_in_dim3A_116 masked %eq3A_110 : memref<128x64xf32, #tpu.memory_space<vmem>>[vector<16xi32>, vector<16xi32>], vector<16xf32>, vector<16xi1>
          %broadcast_in_dim3A_473 = arith.constant 51 : i32
          %broadcast_in_dim3A_474 = vector.broadcast %broadcast_in_dim3A_473 : i32 to vector<16xi32>
          %scatter3A_475 = arith.constant 1 : i32
          %scatter3A_476 = arith.constant 0 : i32
          %scatter3A_477 = arith.constant 0 : i32
          %scatter3A_478 = tpu.memref_slice %arg7[%scatter3A_475, %scatter3A_476, %scatter3A_477] : memref<2x128x64xf32, #tpu.memory_space<vmem>> -> memref<1x128x64xf32, #tpu.memory_space<vmem>>
          %scatter3A_479 = tpu.memref_squeeze %scatter3A_478 : memref<1x128x64xf32, #tpu.memory_space<vmem>> -> memref<128x64xf32, #tpu.memory_space<vmem>>
          tpu.vector_store_idx %scatter3A_479[%add3A_114, %broadcast_in_dim3A_474], %broadcast_in_dim3A_116 masked %eq3A_110 : memref<128x64xf32, #tpu.memory_space<vmem>>[vector<16xi32>, vector<16xi32>], vector<16xf32>, vector<16xi1>
          %broadcast_in_dim3A_480 = arith.constant 52 : i32
          %broadcast_in_dim3A_481 = vector.broadcast %broadcast_in_dim3A_480 : i32 to vector<16xi32>
          %scatter3A_482 = arith.constant 1 : i32
          %scatter3A_483 = arith.constant 0 : i32
          %scatter3A_484 = arith.constant 0 : i32
          %scatter3A_485 = tpu.memref_slice %arg7[%scatter3A_482, %scatter3A_483, %scatter3A_484] : memref<2x128x64xf32, #tpu.memory_space<vmem>> -> memref<1x128x64xf32, #tpu.memory_space<vmem>>
          %scatter3A_486 = tpu.memref_squeeze %scatter3A_485 : memref<1x128x64xf32, #tpu.memory_space<vmem>> -> memref<128x64xf32, #tpu.memory_space<vmem>>
          tpu.vector_store_idx %scatter3A_486[%add3A_114, %broadcast_in_dim3A_481], %broadcast_in_dim3A_116 masked %eq3A_110 : memref<128x64xf32, #tpu.memory_space<vmem>>[vector<16xi32>, vector<16xi32>], vector<16xf32>, vector<16xi1>
          %broadcast_in_dim3A_487 = arith.constant 53 : i32
          %broadcast_in_dim3A_488 = vector.broadcast %broadcast_in_dim3A_487 : i32 to vector<16xi32>
          %scatter3A_489 = arith.constant 1 : i32
          %scatter3A_490 = arith.constant 0 : i32
          %scatter3A_491 = arith.constant 0 : i32
          %scatter3A_492 = tpu.memref_slice %arg7[%scatter3A_489, %scatter3A_490, %scatter3A_491] : memref<2x128x64xf32, #tpu.memory_space<vmem>> -> memref<1x128x64xf32, #tpu.memory_space<vmem>>
          %scatter3A_493 = tpu.memref_squeeze %scatter3A_492 : memref<1x128x64xf32, #tpu.memory_space<vmem>> -> memref<128x64xf32, #tpu.memory_space<vmem>>
          tpu.vector_store_idx %scatter3A_493[%add3A_114, %broadcast_in_dim3A_488], %broadcast_in_dim3A_116 masked %eq3A_110 : memref<128x64xf32, #tpu.memory_space<vmem>>[vector<16xi32>, vector<16xi32>], vector<16xf32>, vector<16xi1>
          %broadcast_in_dim3A_494 = arith.constant 54 : i32
          %broadcast_in_dim3A_495 = vector.broadcast %broadcast_in_dim3A_494 : i32 to vector<16xi32>
          %scatter3A_496 = arith.constant 1 : i32
          %scatter3A_497 = arith.constant 0 : i32
          %scatter3A_498 = arith.constant 0 : i32
          %scatter3A_499 = tpu.memref_slice %arg7[%scatter3A_496, %scatter3A_497, %scatter3A_498] : memref<2x128x64xf32, #tpu.memory_space<vmem>> -> memref<1x128x64xf32, #tpu.memory_space<vmem>>
          %scatter3A_500 = tpu.memref_squeeze %scatter3A_499 : memref<1x128x64xf32, #tpu.memory_space<vmem>> -> memref<128x64xf32, #tpu.memory_space<vmem>>
          tpu.vector_store_idx %scatter3A_500[%add3A_114, %broadcast_in_dim3A_495], %broadcast_in_dim3A_116 masked %eq3A_110 : memref<128x64xf32, #tpu.memory_space<vmem>>[vector<16xi32>, vector<16xi32>], vector<16xf32>, vector<16xi1>
          %broadcast_in_dim3A_501 = arith.constant 55 : i32
          %broadcast_in_dim3A_502 = vector.broadcast %broadcast_in_dim3A_501 : i32 to vector<16xi32>
          %scatter3A_503 = arith.constant 1 : i32
          %scatter3A_504 = arith.constant 0 : i32
          %scatter3A_505 = arith.constant 0 : i32
          %scatter3A_506 = tpu.memref_slice %arg7[%scatter3A_503, %scatter3A_504, %scatter3A_505] : memref<2x128x64xf32, #tpu.memory_space<vmem>> -> memref<1x128x64xf32, #tpu.memory_space<vmem>>
          %scatter3A_507 = tpu.memref_squeeze %scatter3A_506 : memref<1x128x64xf32, #tpu.memory_space<vmem>> -> memref<128x64xf32, #tpu.memory_space<vmem>>
          tpu.vector_store_idx %scatter3A_507[%add3A_114, %broadcast_in_dim3A_502], %broadcast_in_dim3A_116 masked %eq3A_110 : memref<128x64xf32, #tpu.memory_space<vmem>>[vector<16xi32>, vector<16xi32>], vector<16xf32>, vector<16xi1>
          %broadcast_in_dim3A_508 = arith.constant 56 : i32
          %broadcast_in_dim3A_509 = vector.broadcast %broadcast_in_dim3A_508 : i32 to vector<16xi32>
          %scatter3A_510 = arith.constant 1 : i32
          %scatter3A_511 = arith.constant 0 : i32
          %scatter3A_512 = arith.constant 0 : i32
          %scatter3A_513 = tpu.memref_slice %arg7[%scatter3A_510, %scatter3A_511, %scatter3A_512] : memref<2x128x64xf32, #tpu.memory_space<vmem>> -> memref<1x128x64xf32, #tpu.memory_space<vmem>>
          %scatter3A_514 = tpu.memref_squeeze %scatter3A_513 : memref<1x128x64xf32, #tpu.memory_space<vmem>> -> memref<128x64xf32, #tpu.memory_space<vmem>>
          tpu.vector_store_idx %scatter3A_514[%add3A_114, %broadcast_in_dim3A_509], %broadcast_in_dim3A_116 masked %eq3A_110 : memref<128x64xf32, #tpu.memory_space<vmem>>[vector<16xi32>, vector<16xi32>], vector<16xf32>, vector<16xi1>
          %broadcast_in_dim3A_515 = arith.constant 57 : i32
          %broadcast_in_dim3A_516 = vector.broadcast %broadcast_in_dim3A_515 : i32 to vector<16xi32>
          %scatter3A_517 = arith.constant 1 : i32
          %scatter3A_518 = arith.constant 0 : i32
          %scatter3A_519 = arith.constant 0 : i32
          %scatter3A_520 = tpu.memref_slice %arg7[%scatter3A_517, %scatter3A_518, %scatter3A_519] : memref<2x128x64xf32, #tpu.memory_space<vmem>> -> memref<1x128x64xf32, #tpu.memory_space<vmem>>
          %scatter3A_521 = tpu.memref_squeeze %scatter3A_520 : memref<1x128x64xf32, #tpu.memory_space<vmem>> -> memref<128x64xf32, #tpu.memory_space<vmem>>
          tpu.vector_store_idx %scatter3A_521[%add3A_114, %broadcast_in_dim3A_516], %broadcast_in_dim3A_116 masked %eq3A_110 : memref<128x64xf32, #tpu.memory_space<vmem>>[vector<16xi32>, vector<16xi32>], vector<16xf32>, vector<16xi1>
          %broadcast_in_dim3A_522 = arith.constant 58 : i32
          %broadcast_in_dim3A_523 = vector.broadcast %broadcast_in_dim3A_522 : i32 to vector<16xi32>
          %scatter3A_524 = arith.constant 1 : i32
          %scatter3A_525 = arith.constant 0 : i32
          %scatter3A_526 = arith.constant 0 : i32
          %scatter3A_527 = tpu.memref_slice %arg7[%scatter3A_524, %scatter3A_525, %scatter3A_526] : memref<2x128x64xf32, #tpu.memory_space<vmem>> -> memref<1x128x64xf32, #tpu.memory_space<vmem>>
          %scatter3A_528 = tpu.memref_squeeze %scatter3A_527 : memref<1x128x64xf32, #tpu.memory_space<vmem>> -> memref<128x64xf32, #tpu.memory_space<vmem>>
          tpu.vector_store_idx %scatter3A_528[%add3A_114, %broadcast_in_dim3A_523], %broadcast_in_dim3A_116 masked %eq3A_110 : memref<128x64xf32, #tpu.memory_space<vmem>>[vector<16xi32>, vector<16xi32>], vector<16xf32>, vector<16xi1>
          %broadcast_in_dim3A_529 = arith.constant 59 : i32
          %broadcast_in_dim3A_530 = vector.broadcast %broadcast_in_dim3A_529 : i32 to vector<16xi32>
          %scatter3A_531 = arith.constant 1 : i32
          %scatter3A_532 = arith.constant 0 : i32
          %scatter3A_533 = arith.constant 0 : i32
          %scatter3A_534 = tpu.memref_slice %arg7[%scatter3A_531, %scatter3A_532, %scatter3A_533] : memref<2x128x64xf32, #tpu.memory_space<vmem>> -> memref<1x128x64xf32, #tpu.memory_space<vmem>>
          %scatter3A_535 = tpu.memref_squeeze %scatter3A_534 : memref<1x128x64xf32, #tpu.memory_space<vmem>> -> memref<128x64xf32, #tpu.memory_space<vmem>>
          tpu.vector_store_idx %scatter3A_535[%add3A_114, %broadcast_in_dim3A_530], %broadcast_in_dim3A_116 masked %eq3A_110 : memref<128x64xf32, #tpu.memory_space<vmem>>[vector<16xi32>, vector<16xi32>], vector<16xf32>, vector<16xi1>
          %broadcast_in_dim3A_536 = arith.constant 60 : i32
          %broadcast_in_dim3A_537 = vector.broadcast %broadcast_in_dim3A_536 : i32 to vector<16xi32>
          %scatter3A_538 = arith.constant 1 : i32
          %scatter3A_539 = arith.constant 0 : i32
          %scatter3A_540 = arith.constant 0 : i32
          %scatter3A_541 = tpu.memref_slice %arg7[%scatter3A_538, %scatter3A_539, %scatter3A_540] : memref<2x128x64xf32, #tpu.memory_space<vmem>> -> memref<1x128x64xf32, #tpu.memory_space<vmem>>
          %scatter3A_542 = tpu.memref_squeeze %scatter3A_541 : memref<1x128x64xf32, #tpu.memory_space<vmem>> -> memref<128x64xf32, #tpu.memory_space<vmem>>
          tpu.vector_store_idx %scatter3A_542[%add3A_114, %broadcast_in_dim3A_537], %broadcast_in_dim3A_116 masked %eq3A_110 : memref<128x64xf32, #tpu.memory_space<vmem>>[vector<16xi32>, vector<16xi32>], vector<16xf32>, vector<16xi1>
          %broadcast_in_dim3A_543 = arith.constant 61 : i32
          %broadcast_in_dim3A_544 = vector.broadcast %broadcast_in_dim3A_543 : i32 to vector<16xi32>
          %scatter3A_545 = arith.constant 1 : i32
          %scatter3A_546 = arith.constant 0 : i32
          %scatter3A_547 = arith.constant 0 : i32
          %scatter3A_548 = tpu.memref_slice %arg7[%scatter3A_545, %scatter3A_546, %scatter3A_547] : memref<2x128x64xf32, #tpu.memory_space<vmem>> -> memref<1x128x64xf32, #tpu.memory_space<vmem>>
          %scatter3A_549 = tpu.memref_squeeze %scatter3A_548 : memref<1x128x64xf32, #tpu.memory_space<vmem>> -> memref<128x64xf32, #tpu.memory_space<vmem>>
          tpu.vector_store_idx %scatter3A_549[%add3A_114, %broadcast_in_dim3A_544], %broadcast_in_dim3A_116 masked %eq3A_110 : memref<128x64xf32, #tpu.memory_space<vmem>>[vector<16xi32>, vector<16xi32>], vector<16xf32>, vector<16xi1>
          %broadcast_in_dim3A_550 = arith.constant 62 : i32
          %broadcast_in_dim3A_551 = vector.broadcast %broadcast_in_dim3A_550 : i32 to vector<16xi32>
          %scatter3A_552 = arith.constant 1 : i32
          %scatter3A_553 = arith.constant 0 : i32
          %scatter3A_554 = arith.constant 0 : i32
          %scatter3A_555 = tpu.memref_slice %arg7[%scatter3A_552, %scatter3A_553, %scatter3A_554] : memref<2x128x64xf32, #tpu.memory_space<vmem>> -> memref<1x128x64xf32, #tpu.memory_space<vmem>>
          %scatter3A_556 = tpu.memref_squeeze %scatter3A_555 : memref<1x128x64xf32, #tpu.memory_space<vmem>> -> memref<128x64xf32, #tpu.memory_space<vmem>>
          tpu.vector_store_idx %scatter3A_556[%add3A_114, %broadcast_in_dim3A_551], %broadcast_in_dim3A_116 masked %eq3A_110 : memref<128x64xf32, #tpu.memory_space<vmem>>[vector<16xi32>, vector<16xi32>], vector<16xf32>, vector<16xi1>
          %broadcast_in_dim3A_557 = arith.constant 63 : i32
          %broadcast_in_dim3A_558 = vector.broadcast %broadcast_in_dim3A_557 : i32 to vector<16xi32>
          %scatter3A_559 = arith.constant 1 : i32
          %scatter3A_560 = arith.constant 0 : i32
          %scatter3A_561 = arith.constant 0 : i32
          %scatter3A_562 = tpu.memref_slice %arg7[%scatter3A_559, %scatter3A_560, %scatter3A_561] : memref<2x128x64xf32, #tpu.memory_space<vmem>> -> memref<1x128x64xf32, #tpu.memory_space<vmem>>
          %scatter3A_563 = tpu.memref_squeeze %scatter3A_562 : memref<1x128x64xf32, #tpu.memory_space<vmem>> -> memref<128x64xf32, #tpu.memory_space<vmem>>
          tpu.vector_store_idx %scatter3A_563[%add3A_114, %broadcast_in_dim3A_558], %broadcast_in_dim3A_116 masked %eq3A_110 : memref<128x64xf32, #tpu.memory_space<vmem>>[vector<16xi32>, vector<16xi32>], vector<16xf32>, vector<16xi1>
        }
        %scan3A_103 = arith.constant 8 : i32
      } else {
      }
      %run_scoped3A_97 = arith.constant 1 : i32
      "tpu.region"() ({
        %run_scoped3A_98 = tpu.sem_alloc : memref<!tpu.dma_semaphore, #tpu.memory_space<semaphore_mem>>
        %dma_start3A_99 = arith.constant 0 : i32
        %dma_start3A_100 = arith.constant 0 : i32
        %dma_start3A_101 = tpu.memref_slice %arg7[%run_scoped3A_97, %dma_start3A_99, %dma_start3A_100] : memref<2x128x64xf32, #tpu.memory_space<vmem>> -> memref<1x128x64xf32, #tpu.memory_space<vmem>>
        %dma_start3A_102 = tpu.memref_squeeze %dma_start3A_101 : memref<1x128x64xf32, #tpu.memory_space<vmem>> -> memref<128x64xf32, #tpu.memory_space<vmem>>
        %dma_start3A_103 = arith.constant 64 : i32
        %dma_start3A_104 = tpu.memref_slice %arg4[%scan3A_25, %mul3A_2, %dma_start3A_103] : memref<25x4096x128xf32, #tpu.memory_space<hbm>> -> memref<1x128x64xf32, #tpu.memory_space<hbm>>
        %dma_start3A_105 = tpu.memref_squeeze %dma_start3A_104 : memref<1x128x64xf32, #tpu.memory_space<hbm>> -> memref<128x64xf32, #tpu.memory_space<hbm>>
        %dma_start3A_106 = arith.constant 64 : i32
        %dma_start3A_107 = tpu.memref_slice %arg4[%scan3A_25, %mul3A_2, %dma_start3A_106] : memref<25x4096x128xf32, #tpu.memory_space<hbm>> -> memref<1x128x64xf32, #tpu.memory_space<hbm>>
        %dma_start3A_108 = tpu.memref_squeeze %dma_start3A_107 : memref<1x128x64xf32, #tpu.memory_space<hbm>> -> memref<128x64xf32, #tpu.memory_space<hbm>>
        %dma_start3A_109 = arith.constant 0 : i32
        %dma_start3A_110 = arith.constant 0 : i32
        %dma_start3A_111 = tpu.memref_slice %arg7[%run_scoped3A_97, %dma_start3A_109, %dma_start3A_110] : memref<2x128x64xf32, #tpu.memory_space<vmem>> -> memref<1x128x64xf32, #tpu.memory_space<vmem>>
        %dma_start3A_112 = tpu.memref_squeeze %dma_start3A_111 : memref<1x128x64xf32, #tpu.memory_space<vmem>> -> memref<128x64xf32, #tpu.memory_space<vmem>>
        tpu.enqueue_dma source(%dma_start3A_112 : memref<128x64xf32, #tpu.memory_space<vmem>>) target(%dma_start3A_108 : memref<128x64xf32, #tpu.memory_space<hbm>>) target_semaphore(%run_scoped3A_98 : memref<!tpu.dma_semaphore, #tpu.memory_space<semaphore_mem>>)
        %dma_wait3A_113 = arith.constant 0 : i32
        %dma_wait3A_114 = arith.constant 0 : i32
        %dma_wait3A_115 = tpu.memref_slice %arg7[%run_scoped3A_97, %dma_wait3A_113, %dma_wait3A_114] : memref<2x128x64xf32, #tpu.memory_space<vmem>> -> memref<1x128x64xf32, #tpu.memory_space<vmem>>
        %dma_wait3A_116 = tpu.memref_squeeze %dma_wait3A_115 : memref<1x128x64xf32, #tpu.memory_space<vmem>> -> memref<128x64xf32, #tpu.memory_space<vmem>>
        %dma_wait3A_117 = arith.constant 64 : i32
        %dma_wait3A_118 = tpu.memref_slice %arg4[%scan3A_25, %mul3A_2, %dma_wait3A_117] : memref<25x4096x128xf32, #tpu.memory_space<hbm>> -> memref<1x128x64xf32, #tpu.memory_space<hbm>>
        %dma_wait3A_119 = tpu.memref_squeeze %dma_wait3A_118 : memref<1x128x64xf32, #tpu.memory_space<hbm>> -> memref<128x64xf32, #tpu.memory_space<hbm>>
        %dma_wait3A_120 = arith.constant 64 : i32
        %dma_wait3A_121 = tpu.memref_slice %arg4[%scan3A_25, %mul3A_2, %dma_wait3A_120] : memref<25x4096x128xf32, #tpu.memory_space<hbm>> -> memref<1x128x64xf32, #tpu.memory_space<hbm>>
        %dma_wait3A_122 = tpu.memref_squeeze %dma_wait3A_121 : memref<1x128x64xf32, #tpu.memory_space<hbm>> -> memref<128x64xf32, #tpu.memory_space<hbm>>
        %dma_wait3A_123 = arith.constant 0 : i32
        %dma_wait3A_124 = arith.constant 0 : i32
        %dma_wait3A_125 = tpu.memref_slice %arg7[%run_scoped3A_97, %dma_wait3A_123, %dma_wait3A_124] : memref<2x128x64xf32, #tpu.memory_space<vmem>> -> memref<1x128x64xf32, #tpu.memory_space<vmem>>
        %dma_wait3A_126 = tpu.memref_squeeze %dma_wait3A_125 : memref<1x128x64xf32, #tpu.memory_space<vmem>> -> memref<128x64xf32, #tpu.memory_space<vmem>>
        tpu.wait_dma2 semaphore(%run_scoped3A_98 : memref<!tpu.dma_semaphore, #tpu.memory_space<semaphore_mem>>) src(%dma_wait3A_126 : memref<128x64xf32, #tpu.memory_space<vmem>>) dst(%dma_wait3A_122 : memref<128x64xf32, #tpu.memory_space<hbm>>)
        tpu.yield
      }) : () -> ()
    }
    %scan3A_24 = arith.constant 25 : i32
    return
  }
}

module attributes {stable_mosaic.version = 14 : i64} {
  func.func @_gru_body(%arg0: i32, %arg1: memref<1x4096x128xf32, #tpu.memory_space<vmem>>, %arg2: memref<128x192xf32, #tpu.memory_space<vmem>>, %arg3: memref<128x192xf32, #tpu.memory_space<vmem>>, %arg4: memref<64x192xf32, #tpu.memory_space<vmem>>, %arg5: memref<1x128xf32, #tpu.memory_space<vmem>>, %arg6: memref<1x64xf32, #tpu.memory_space<vmem>>, %arg7: memref<1x64xf32, #tpu.memory_space<vmem>>, %arg8: memref<4096x64xf32, #tpu.memory_space<vmem>>) attributes {dimension_semantics = [#tpu.dimension_semantics<arbitrary>], iteration_bounds = array<i64: 25>, scalar_prefetch = 0 : i64, scratch_operands = 0 : i64, tpu.core_type = #tpu.core_type<tc>, window_params = [{transform_indices = @transform_0, window_bounds = array<i64: 1, 4096, 128>}, {pipeline_mode = #tpu.pipeline_mode<synchronous>, transform_indices = @transform_1, window_bounds = array<i64: 128, 192>}, {pipeline_mode = #tpu.pipeline_mode<synchronous>, transform_indices = @transform_2, window_bounds = array<i64: 128, 192>}, {pipeline_mode = #tpu.pipeline_mode<synchronous>, transform_indices = @transform_3, window_bounds = array<i64: 64, 192>}, {pipeline_mode = #tpu.pipeline_mode<synchronous>, transform_indices = @transform_4, window_bounds = array<i64: 1, 128>}, {pipeline_mode = #tpu.pipeline_mode<synchronous>, transform_indices = @transform_5, window_bounds = array<i64: 1, 64>}, {pipeline_mode = #tpu.pipeline_mode<synchronous>, transform_indices = @transform_6, window_bounds = array<i64: 1, 64>}, {pipeline_mode = #tpu.pipeline_mode<synchronous>, transform_indices = @transform_7, window_bounds = array<i64: 4096, 64>}]} {
    %eq3A = arith.constant 0 : i32
    %eq3A_0 = arith.cmpi eq, %arg0, %eq3A : i32
    %convert_element_type3A = arith.extui %eq3A_0 : i1 to i32
    %cond3A = arith.constant 0 : i32
    %cond3A_1 = arith.cmpi ne, %convert_element_type3A, %cond3A : i32
    scf.if %cond3A_1 {
      %broadcast_in_dim3A = arith.constant 0.000000e+00 : f32
      %broadcast_in_dim3A_98 = vector.broadcast %broadcast_in_dim3A : f32 to vector<4096x64xf32>
      %swap3A_99 = arith.constant 0 : index
      %swap3A_100 = arith.constant 0 : index
      %swap3A_101 = vector.load %arg8[%swap3A_99, %swap3A_100] : memref<4096x64xf32, #tpu.memory_space<vmem>>, vector<4096x64xf32>
      tpu.vector_store %arg8[%swap3A_99, %swap3A_100], %broadcast_in_dim3A_98 {strides = array<i32>} : memref<4096x64xf32, #tpu.memory_space<vmem>>, vector<4096x64xf32>,
    } else {
    }
    %get3A = arith.constant 0 : index
    %get3A_2 = arith.constant 0 : index
    %get3A_3 = arith.constant 0 : index
    %get3A_4 = vector.load %arg1[%get3A, %get3A_2, %get3A_3] : memref<1x4096x128xf32, #tpu.memory_space<vmem>>, vector<1x4096x128xf32>
    %get3A_5 = vector.shape_cast %get3A_4 : vector<1x4096x128xf32> to vector<4096x128xf32>
    %get3A_6 = arith.constant 0 : index
    %get3A_7 = arith.constant 0 : index
    %get3A_8 = vector.load %arg8[%get3A_6, %get3A_7] : memref<4096x64xf32, #tpu.memory_space<vmem>>, vector<4096x64xf32>
    %get3A_9 = arith.constant 0 : index
    %get3A_10 = arith.constant 0 : index
    %get3A_11 = vector.load %arg2[%get3A_9, %get3A_10] : memref<128x192xf32, #tpu.memory_space<vmem>>, vector<128x192xf32>
    %dot_general3A = arith.constant dense<0.000000e+00> : vector<4096x192xf32>
    %dot_general3A_12 = tpu.matmul %get3A_5, %get3A_11, %dot_general3A {dimension_numbers = #tpu.dot_dimension_numbers<[1], [0], [0], [1], [0, 0, 1, 1], [], []>, transpose_lhs_hint = false} : vector<4096x128xf32>, vector<128x192xf32>, vector<4096x192xf32> -> vector<4096x192xf32>
    %get3A_13 = arith.constant 0 : index
    %get3A_14 = arith.constant 0 : index
    %get3A_15 = vector.load %arg4[%get3A_13, %get3A_14] : memref<64x192xf32, #tpu.memory_space<vmem>>, vector<64x192xf32>
    %dot_general3A_16 = arith.constant dense<0.000000e+00> : vector<4096x192xf32>
    %dot_general3A_17 = tpu.matmul %get3A_8, %get3A_15, %dot_general3A_16 {dimension_numbers = #tpu.dot_dimension_numbers<[1], [0], [0], [1], [0, 0, 1, 1], [], []>, transpose_lhs_hint = false} : vector<4096x64xf32>, vector<64x192xf32>, vector<4096x192xf32> -> vector<4096x192xf32>
    %slice3A = vector.extract_strided_slice %dot_general3A_12 {offsets = [0, 0], sizes = [4096, 128], strides = [1, 1]} : vector<4096x192xf32> to vector<4096x128xf32>
    %slice3A_18 = vector.extract_strided_slice %dot_general3A_17 {offsets = [0, 0], sizes = [4096, 128], strides = [1, 1]} : vector<4096x192xf32> to vector<4096x128xf32>
    %add3A = arith.addf %slice3A, %slice3A_18 : vector<4096x128xf32>
    %get3A_19 = arith.constant 0 : index
    %get3A_20 = arith.constant 0 : index
    %get3A_21 = vector.load %arg5[%get3A_19, %get3A_20] : memref<1x128xf32, #tpu.memory_space<vmem>>, vector<1x128xf32>
    %add3A_22 = vector.broadcast %get3A_21 : vector<1x128xf32> to vector<4096x128xf32>
    %add3A_23 = arith.addf %add3A, %add3A_22 : vector<4096x128xf32>
    %logistic3A = arith.negf %add3A_23 : vector<4096x128xf32>
    %logistic3A_24 = math.exp %logistic3A : vector<4096x128xf32>
    %logistic3A_25 = arith.constant 1.000000e+00 : f32
    %logistic3A_26 = vector.broadcast %logistic3A_25 : f32 to vector<4096x128xf32>
    %logistic3A_27 = arith.addf %logistic3A_26, %logistic3A_24 : vector<4096x128xf32>
    %logistic3A_28 = arith.divf %logistic3A_26, %logistic3A_27 : vector<4096x128xf32>
    %slice3A_29 = vector.extract_strided_slice %logistic3A_28 {offsets = [0, 0], sizes = [4096, 64], strides = [1, 1]} : vector<4096x128xf32> to vector<4096x64xf32>
    %slice3A_30 = vector.extract_strided_slice %logistic3A_28 {offsets = [0, 64], sizes = [4096, 64], strides = [1, 1]} : vector<4096x128xf32> to vector<4096x64xf32>
    %slice3A_31 = vector.extract_strided_slice %dot_general3A_12 {offsets = [0, 128], sizes = [4096, 64], strides = [1, 1]} : vector<4096x192xf32> to vector<4096x64xf32>
    %get3A_32 = arith.constant 0 : index
    %get3A_33 = arith.constant 0 : index
    %get3A_34 = vector.load %arg6[%get3A_32, %get3A_33] : memref<1x64xf32, #tpu.memory_space<vmem>>, vector<1x64xf32>
    %add3A_35 = vector.broadcast %get3A_34 : vector<1x64xf32> to vector<4096x64xf32>
    %add3A_36 = arith.addf %slice3A_31, %add3A_35 : vector<4096x64xf32>
    %slice3A_37 = vector.extract_strided_slice %dot_general3A_17 {offsets = [0, 128], sizes = [4096, 64], strides = [1, 1]} : vector<4096x192xf32> to vector<4096x64xf32>
    %get3A_38 = arith.constant 0 : index
    %get3A_39 = arith.constant 0 : index
    %get3A_40 = vector.load %arg7[%get3A_38, %get3A_39] : memref<1x64xf32, #tpu.memory_space<vmem>>, vector<1x64xf32>
    %add3A_41 = vector.broadcast %get3A_40 : vector<1x64xf32> to vector<4096x64xf32>
    %add3A_42 = arith.addf %slice3A_37, %add3A_41 : vector<4096x64xf32>
    %mul3A = arith.mulf %slice3A_29, %add3A_42 : vector<4096x64xf32>
    %add3A_43 = arith.addf %add3A_36, %mul3A : vector<4096x64xf32>
    %tanh3A = math.tanh %add3A_43 : vector<4096x64xf32>
    %sub3A = arith.constant 1.000000e+00 : f32
    %sub3A_44 = vector.broadcast %sub3A : f32 to vector<4096x64xf32>
    %sub3A_45 = arith.subf %sub3A_44, %slice3A_30 : vector<4096x64xf32>
    %mul3A_46 = arith.mulf %sub3A_45, %tanh3A : vector<4096x64xf32>
    %mul3A_47 = arith.mulf %slice3A_30, %get3A_8 : vector<4096x64xf32>
    %add3A_48 = arith.addf %mul3A_46, %mul3A_47 : vector<4096x64xf32>
    %get3A_49 = arith.constant 0 : index
    %get3A_50 = arith.constant 0 : index
    %get3A_51 = vector.load %arg3[%get3A_49, %get3A_50] : memref<128x192xf32, #tpu.memory_space<vmem>>, vector<128x192xf32>
    %dot_general3A_52 = arith.constant dense<0.000000e+00> : vector<4096x192xf32>
    %dot_general3A_53 = tpu.matmul %get3A_5, %get3A_51, %dot_general3A_52 {dimension_numbers = #tpu.dot_dimension_numbers<[1], [0], [0], [1], [0, 0, 1, 1], [], []>, transpose_lhs_hint = false} : vector<4096x128xf32>, vector<128x192xf32>, vector<4096x192xf32> -> vector<4096x192xf32>
    %get3A_54 = arith.constant 0 : index
    %get3A_55 = arith.constant 0 : index
    %get3A_56 = vector.load %arg4[%get3A_54, %get3A_55] : memref<64x192xf32, #tpu.memory_space<vmem>>, vector<64x192xf32>
    %dot_general3A_57 = arith.constant dense<0.000000e+00> : vector<4096x192xf32>
    %dot_general3A_58 = tpu.matmul %add3A_48, %get3A_56, %dot_general3A_57 {dimension_numbers = #tpu.dot_dimension_numbers<[1], [0], [0], [1], [0, 0, 1, 1], [], []>, transpose_lhs_hint = false} : vector<4096x64xf32>, vector<64x192xf32>, vector<4096x192xf32> -> vector<4096x192xf32>
    %slice3A_59 = vector.extract_strided_slice %dot_general3A_53 {offsets = [0, 0], sizes = [4096, 128], strides = [1, 1]} : vector<4096x192xf32> to vector<4096x128xf32>
    %slice3A_60 = vector.extract_strided_slice %dot_general3A_58 {offsets = [0, 0], sizes = [4096, 128], strides = [1, 1]} : vector<4096x192xf32> to vector<4096x128xf32>
    %add3A_61 = arith.addf %slice3A_59, %slice3A_60 : vector<4096x128xf32>
    %get3A_62 = arith.constant 0 : index
    %get3A_63 = arith.constant 0 : index
    %get3A_64 = vector.load %arg5[%get3A_62, %get3A_63] : memref<1x128xf32, #tpu.memory_space<vmem>>, vector<1x128xf32>
    %add3A_65 = vector.broadcast %get3A_64 : vector<1x128xf32> to vector<4096x128xf32>
    %add3A_66 = arith.addf %add3A_61, %add3A_65 : vector<4096x128xf32>
    %logistic3A_67 = arith.negf %add3A_66 : vector<4096x128xf32>
    %logistic3A_68 = math.exp %logistic3A_67 : vector<4096x128xf32>
    %logistic3A_69 = arith.constant 1.000000e+00 : f32
    %logistic3A_70 = vector.broadcast %logistic3A_69 : f32 to vector<4096x128xf32>
    %logistic3A_71 = arith.addf %logistic3A_70, %logistic3A_68 : vector<4096x128xf32>
    %logistic3A_72 = arith.divf %logistic3A_70, %logistic3A_71 : vector<4096x128xf32>
    %slice3A_73 = vector.extract_strided_slice %logistic3A_72 {offsets = [0, 0], sizes = [4096, 64], strides = [1, 1]} : vector<4096x128xf32> to vector<4096x64xf32>
    %slice3A_74 = vector.extract_strided_slice %logistic3A_72 {offsets = [0, 64], sizes = [4096, 64], strides = [1, 1]} : vector<4096x128xf32> to vector<4096x64xf32>
    %slice3A_75 = vector.extract_strided_slice %dot_general3A_53 {offsets = [0, 128], sizes = [4096, 64], strides = [1, 1]} : vector<4096x192xf32> to vector<4096x64xf32>
    %get3A_76 = arith.constant 0 : index
    %get3A_77 = arith.constant 0 : index
    %get3A_78 = vector.load %arg6[%get3A_76, %get3A_77] : memref<1x64xf32, #tpu.memory_space<vmem>>, vector<1x64xf32>
    %add3A_79 = vector.broadcast %get3A_78 : vector<1x64xf32> to vector<4096x64xf32>
    %add3A_80 = arith.addf %slice3A_75, %add3A_79 : vector<4096x64xf32>
    %slice3A_81 = vector.extract_strided_slice %dot_general3A_58 {offsets = [0, 128], sizes = [4096, 64], strides = [1, 1]} : vector<4096x192xf32> to vector<4096x64xf32>
    %get3A_82 = arith.constant 0 : index
    %get3A_83 = arith.constant 0 : index
    %get3A_84 = vector.load %arg7[%get3A_82, %get3A_83] : memref<1x64xf32, #tpu.memory_space<vmem>>, vector<1x64xf32>
    %add3A_85 = vector.broadcast %get3A_84 : vector<1x64xf32> to vector<4096x64xf32>
    %add3A_86 = arith.addf %slice3A_81, %add3A_85 : vector<4096x64xf32>
    %mul3A_87 = arith.mulf %slice3A_73, %add3A_86 : vector<4096x64xf32>
    %add3A_88 = arith.addf %add3A_80, %mul3A_87 : vector<4096x64xf32>
    %tanh3A_89 = math.tanh %add3A_88 : vector<4096x64xf32>
    %sub3A_90 = arith.constant 1.000000e+00 : f32
    %sub3A_91 = vector.broadcast %sub3A_90 : f32 to vector<4096x64xf32>
    %sub3A_92 = arith.subf %sub3A_91, %slice3A_74 : vector<4096x64xf32>
    %mul3A_93 = arith.mulf %sub3A_92, %tanh3A_89 : vector<4096x64xf32>
    %mul3A_94 = arith.mulf %slice3A_74, %add3A_48 : vector<4096x64xf32>
    %add3A_95 = arith.addf %mul3A_93, %mul3A_94 : vector<4096x64xf32>
    %swap3A = arith.constant 0 : index
    %swap3A_96 = arith.constant 0 : index
    %swap3A_97 = vector.load %arg8[%swap3A, %swap3A_96] : memref<4096x64xf32, #tpu.memory_space<vmem>>, vector<4096x64xf32>
    tpu.vector_store %arg8[%swap3A, %swap3A_96], %add3A_95 {strides = array<i32>} : memref<4096x64xf32, #tpu.memory_space<vmem>>, vector<4096x64xf32>,
    return
  }
  func.func @transform_0(%arg0: i32) -> (i32, i32, i32) {
    %c0_i32 = arith.constant 0 : i32
    %c0_i32_0 = arith.constant 0 : i32
    %c0_i32_1 = arith.constant 0 : i32
    return %arg0, %c0_i32, %c0_i32_0 : i32, i32, i32
  }
  func.func @transform_1(%arg0: i32) -> (i32, i32) {
    %c0_i32 = arith.constant 0 : i32
    %c0_i32_0 = arith.constant 0 : i32
    %c0_i32_1 = arith.constant 0 : i32
    return %c0_i32, %c0_i32_0 : i32, i32
  }
  func.func @transform_2(%arg0: i32) -> (i32, i32) {
    %c0_i32 = arith.constant 0 : i32
    %c0_i32_0 = arith.constant 0 : i32
    %c0_i32_1 = arith.constant 0 : i32
    return %c0_i32, %c0_i32_0 : i32, i32
  }
  func.func @transform_3(%arg0: i32) -> (i32, i32) {
    %c0_i32 = arith.constant 0 : i32
    %c0_i32_0 = arith.constant 0 : i32
    %c0_i32_1 = arith.constant 0 : i32
    return %c0_i32, %c0_i32_0 : i32, i32
  }
  func.func @transform_4(%arg0: i32) -> (i32, i32) {
    %c0_i32 = arith.constant 0 : i32
    %c0_i32_0 = arith.constant 0 : i32
    %c0_i32_1 = arith.constant 0 : i32
    return %c0_i32, %c0_i32_0 : i32, i32
  }
  func.func @transform_5(%arg0: i32) -> (i32, i32) {
    %c0_i32 = arith.constant 0 : i32
    %c0_i32_0 = arith.constant 0 : i32
    %c0_i32_1 = arith.constant 0 : i32
    return %c0_i32, %c0_i32_0 : i32, i32
  }
  func.func @transform_6(%arg0: i32) -> (i32, i32) {
    %c0_i32 = arith.constant 0 : i32
    %c0_i32_0 = arith.constant 0 : i32
    %c0_i32_1 = arith.constant 0 : i32
    return %c0_i32, %c0_i32_0 : i32, i32
  }
  func.func @transform_7(%arg0: i32) -> (i32, i32) {
    %c0_i32 = arith.constant 0 : i32
    %c0_i32_0 = arith.constant 0 : i32
    %c0_i32_1 = arith.constant 0 : i32
    return %c0_i32, %c0_i32_0 : i32, i32
  }
}

</mosaic_0001>

<sc_bundles>
// kernel: kernel.4.cloned.1.call-start
scs
__scs_entry_jumppad:
0x0: {  	(pc) =	sbr.rel $0x88, $3  }
0x1: {  	(tag) =	ssettag $0x0;
	lr =	simm.s32 $0x1  }
0x2: {  	[smem:$0x3F9B] =	sst lr;
	_ =	strace $0xD0000000  }
0x3: {  	_ = 	snop  }
0x4: {  	_ = 	snop  }
0x5: {  	_ = 	snop  }
0x6: {  	_ = 	snop  }
0x7: {  	_ = 	snop  }
__scs_overlays_trampoline_lowered:
0x8: {  	[smem:$0x3FAA] =	sst s0  }
0x9: {  	[smem:$0x3FAB] =	sst s1  }
0xa: {  	[smem:$0x3FAC] =	sst s2  }
0xb: {  	[smem:$0x3FAD] =	sst s3  }
0xc: {  	[smem:$0x3FAE] =	sst s4  }
0xd: {  	[smem:$0x3FAF] =	sst s5  }
0xe: {  	[smem:$0x3FB0] =	sst s6  }
0xf: {  	[smem:$0x3FB1] =	sst s7  }
0x10: {  	[smem:$0x3FB2] =	sst s8  }
0x11: {  	[smem:$0x3FB3] =	sst s9;
	s0 =	simm.s32 @!p0 $0x0  }
0x12: {  	s1 =	sld [smem:$0x3F99];
	s0 =	simm.s32 @p0 $0x1  }
0x13: {  	[smem:$0x3FB4] =	sst s0;
	s0 =	simm.s32 @!p1 $0x0  }
0x14: {  	s2 =	sld [smem:$0x3F98];
	s0 =	simm.s32 @p1 $0x1  }
0x15: {  	[smem:$0x3FB5] =	sst s0;
	s0 =	simm.s32 @!p2 $0x0  }
0x16: {  	s3 =	sld [smem:$0x3FDB];
	s0 =	simm.s32 @p2 $0x1  }
0x17: {  	s4 =	simm.s32 $0x1BF5;
	[smem:$0x3FB7] =	sst s0  }
0x18: {  	s0 =	sld [smem:$0x3F9A];
	_ =	swait.ge [sflag:s4], $0x0  }
0x19: {  	s7 =	sld [smem:$0x3F9B]  }
0x1a: {  	s8 =	sadd.s32 $0xFFFFE003, lr  }
0x1b: {  	s9 =	sadd.s32 $0xFFFFFEF7, lr;
	s5 =	simm.s32 $0xFFFFFFFF;
	p2 =	slt.u32 s8, $0xFFFFF086  }
0x1c: {  	p1 =	slt.u32 s9, $0xF7A;
	s5 =	simm.s32 @!p2 $0x0  }
0x1d: {  	s5 =	simm.s32 @p1 $0x1;
	p0 =	seq.s32 s7, s2  }
0x1e: {  	s7 =	smul.u32 @!p0 $0xF7A, s2;
	p2 =	seq.s32 @!p0 s5, $0x0  }
0x1f: {  	s9 =	smul.u32 $0xF7A, s1;
	s8 =	simm.s32 @!p0 $0x1BF5;
	p2 =	por !p2, p0  }
0x20: {  	[sflag:s8] =	ssyncset.s32 @!p0 $0xFFFFF086;
	s6 =	sadd.s32 @!p0 s3, s7;
	s7 =	simm.s32 @!p0 $0x108  }
0x21: {  	s3 =	sadd.s32 s3, s9;
	s6 =	sadd.s32 @!p0 $0x88, s6;
	s7 =	simm.s32 @p2 $0x1082  }
0x22: {  	[simem:s7], [sflag:s8] =	dma.local @!p0 [hbm:s6], $0xF7A  }
0x23: {  	s9 =	sor.u32 $0xD0000000, s2;
	s6 =	simm.s32 $0x108;
	_ =	swait.ge @!p0 [sflag:s8], $0x0  }
0x24: {  	s3 =	sadd.s32 $0x88, s3;
	s6 =	simm.s32 @!p1 $0x1082;
	[sflag:s4] =	ssyncset.s32 $0xFFFFF086  }
0x25: {  	[simem:s6], [sflag:s4] =	dma.local [hbm:s3], $0xF7A  }
0x26: {  	[smem:$0x3F9B] =	sst s1;
	(tag) =	ssettag s2;
	_ =	strace s9  }
0x27: {  	s1 =	sld [smem:$0x3FAB]  }
0x28: {  	s2 =	sld [smem:$0x3FAC]  }
0x29: {  	s4 =	sld [smem:$0x3FAE]  }
0x2a: {  	p0 =	seq.s32 s5, $0x0;
	s5 =	sld [smem:$0x3FAF]  }
0x2b: {  	s6 =	sld [smem:$0x3FB0]  }
0x2c: {  	s7 =	sld [smem:$0x3FB1]  }
0x2d: {  	s3 =	simm.s32 $0x108;
	s8 =	sld [smem:$0x3FB2]  }
0x2e: {  	s3 =	simm.s32 @!p0 $0x1082;
	s9 =	sld [smem:$0x3FB3]  }
0x2f: {  	lr =	sadd.s32 s0, s3;
	s0 =	sld [smem:$0x3FAA]  }
0x30: {  	s3 =	sld [smem:$0x3FAD]  }
0x31: {  	[smem:$0x3FB6] =	sst s10  }
0x32: {  	s10 =	sld [smem:$0x3FB4];
	_ =	sdelay $0x3  }
0x33: {  	p0 =	seq.s32 s10, $0x1;
	s10 =	sld [smem:$0x3FB6];
	_ =	sdelay $0x3  }
0x34: {  	[smem:$0x3FB6] =	sst s10  }
0x35: {  	s10 =	sld [smem:$0x3FB5];
	_ =	sdelay $0x3  }
0x36: {  	p1 =	seq.s32 s10, $0x1;
	s10 =	sld [smem:$0x3FB6];
	_ =	sdelay $0x3  }
0x37: {  	[smem:$0x3FB6] =	sst s10  }
0x38: {  	s10 =	sld [smem:$0x3FB7]  }
0x39: {  	_ = 	snop;
	(pc) =	sbr.ind lr, $3  }
0x3a: {  	_ = 	snop  }
0x3b: {  	_ = 	snop  }
0x3c: {  	p2 =	seq.s32 s10, $0x1;
	s10 =	sld [smem:$0x3FB6]  }
0x3d: {  	_ =	shalt  }
0x3e: {  	_ =	shalt  }
0x3f: {  	_ =	shalt  }
0x40: {  	_ =	shalt  }
0x41: {  	_ =	shalt  }
0x42: {  	_ =	shalt  }
0x43: {  	_ =	shalt  }
0x44: {  	_ =	shalt  }
0x45: {  	_ =	shalt  }
0x46: {  	_ =	shalt  }
0x47: {  	_ =	shalt  }
0x48: {  	_ =	shalt  }
0x49: {  	_ =	shalt  }
0x4a: {  	_ =	shalt  }
0x4b: {  	_ =	shalt  }
0x4c: {  	_ =	shalt  }
0x4d: {  	_ =	shalt  }
0x4e: {  	_ =	shalt  }
0x4f: {  	_ =	shalt  }
0x50: {  	_ =	shalt  }
0x51: {  	_ =	shalt  }
0x52: {  	_ =	shalt  }
0x53: {  	_ =	shalt  }
0x54: {  	_ =	shalt  }
0x55: {  	_ =	shalt  }
0x56: {  	_ =	shalt  }
0x57: {  	_ =	shalt  }
0x58: {  	_ =	shalt  }
0x59: {  	_ =	shalt  }
0x5a: {  	_ =	shalt  }
0x5b: {  	_ =	shalt  }
0x5c: {  	_ =	shalt  }
0x5d: {  	_ =	shalt  }
0x5e: {  	_ =	shalt  }
0x5f: {  	_ =	shalt  }
0x60: {  	_ =	shalt  }
0x61: {  	_ =	shalt  }
0x62: {  	_ =	shalt  }
0x63: {  	_ =	shalt  }
0x64: {  	_ =	shalt  }
0x65: {  	_ =	shalt  }
0x66: {  	_ =	shalt  }
0x67: {  	_ =	shalt  }
0x68: {  	_ =	shalt  }
0x69: {  	_ =	shalt  }
0x6a: {  	_ =	shalt  }
0x6b: {  	_ =	shalt  }
0x6c: {  	_ =	shalt  }
0x6d: {  	_ =	shalt  }
0x6e: {  	_ =	shalt  }
0x6f: {  	_ =	shalt  }
0x70: {  	_ =	shalt  }
0x71: {  	_ =	shalt  }
0x72: {  	_ =	shalt  }
0x73: {  	_ =	shalt  }
0x74: {  	_ =	shalt  }
0x75: {  	_ =	shalt  }
0x76: {  	_ =	shalt  }
0x77: {  	_ =	shalt  }
0x78: {  	_ =	shalt  }
0x79: {  	_ =	shalt  }
0x7a: {  	_ =	shalt  }
0x7b: {  	_ =	shalt  }
0x7c: {  	_ =	shalt  }
0x7d: {  	_ =	shalt  }
0x7e: {  	_ =	shalt  }
0x7f: {  	_ =	shalt  }
0x80: {  	_ =	shalt  }
0x81: {  	_ =	shalt  }
0x82: {  	_ =	shalt  }
0x83: {  	_ =	shalt  }
0x84: {  	_ =	shalt  }
0x85: {  	_ =	shalt  }
0x86: {  	_ =	shalt  }
0x87: {  	_ =	shalt  }
.Lfunc_end0:
.L_simem_size_0:
called_computation_lowered:
.L_overlay_start_0:
0x88: {  	s2 =	sld [smem:$0x3FD9]  }
0x89: {  	s3 =	sld [smem:$0x3FFE];
	_ =	sdelay $0x1  }
0x8a: {  	s1 =	srdreg.scid  }
0x8b: {  	s0 =	sand.u32 $0x1, s1  }
0x8c: {  	s16 =	sshll.u32 s0, $0xA;
	s2 =	sadd.s32 s3, s2  }
0x8d: {  	s2 =	sadd.s32 s2, s16  }
0x8e: {  	[smem:$0x3FC2] =	sst s2  }
0x8f: {  	_ = 	snop  }
0x90: {  	(tm) =	ssettm $0x1  }
0x91: {  	s17 =	sld [smem:$0x3FFB];
	_ =	sdelay $0x3  }
0x92: {  	_ =	strace s17  }
0x93: {  	s2 =	sld [smem:$0x3FFC];
	_ =	sdelay $0x3  }
0x94: {  	_ =	strace s2  }
0x95: {  	s2 =	sld [smem:$0x3FFD];
	_ =	sdelay $0x3  }
0x96: {  	_ =	strace s2  }
0x97: {  	_ =	strace $0x8FFFFFFF  }
0x98: {  	s18 =	sld [smem:$0x3FDB];
	_ =	sdelay $0x1  }
0x99: {  	s19 =	simm.s32 $_scs_section_size  }
0x9a: {  	s4 =	simm.s32 $_size__tile_overlayer_lowered;
	s5 =	simm.s32 $_tile_overlayer_lowered  }
0x9b: {  	s22 =	simm.s32 $0x1BFF;
	s21 =	sshll.u32 s5, $0x1;
	s2 =	sadd.s32 s19, s18  }
0x9c: {  	s6 =	simm.s32 $0x0;
	s20 =	sshll.u32 s4, $0x1;
	s4 =	sadd.s32 s21, s2  }
0x9d: {  	[timem:s6], [sflag:s22] =	dma.local [hbm:s4], s20  }
0x9e: {  	_ =	swait.ge [sflag:s22], s20  }
0x9f: {  	s3 =	ssub.s32 $0x0, s20;
	[sflag:s22] =	ssyncset.done $0x0  }
0xa0: {  	[sflag:s22] =	ssyncadd.s32 s3;
	_ =	sdelay $0x1  }
0xa1: {  	s23 =	simm.s32 $0x1B8B  }
0xa2: {  	_ =	swait.ge [sflag:s23], $0x1  }
0xa3: {  	[sflag:s23] =	ssyncset.done $0x0  }
0xa4: {  	s25 =	simm.s32 $0x1B8E;
	s24 =	sld [smem:$0x3FFE];
	[sflag:s23] =	ssyncadd.s32 $0xFFFFFFFF  }
0xa5: {  	s26 =	simm.s32 $execute0_lowered;
	[smem:$0x3FD2] =	sst s25  }
0xa6: {  	s4 =	sshll.u32 s26, $0x1;
	_ =	strace $0x80000046;
	[dreg:$0x1] =	wrdreg $0xFFFFFFFF  }
0xa7: {  	s28 =	simm.s32 $_size_execute0_lowered;
	s2 =	sadd.s32 s2, s4;
	[dreg:$0x0] =	wrdreg $0x0  }
0xa8: {  	s4 =	sshll.u32 s28, $0x1;
	[dreg:$0x2] =	wrdreg s2  }
0xa9: {  	[dreg:$0x3] =	wrdreg s4  }
0xaa: {  	[dreg:$0x4] =	wrdreg $0xC0  }
0xab: {  	_ =	task [dreg:s6], $0x5FFFF  }
0xac: {  	[dreg:$0x1] =	wrdreg $0xFFFFFFFF  }
0xad: {  	[dreg:$0x0] =	wrdreg $0x60  }
0xae: {  	[dreg:$0x2] =	wrdreg s24  }
0xaf: {  	[dreg:$0x3] =	wrdreg $0x9  }
0xb0: {  	_ =	task.clear_ibuf [dreg:s6], $0x4FFFF;
	_ =	strace $0x90000046  }
0xb1: {  	s29 =	simm.s32 $0x9;
	_ =	strace $0x80000048  }
0xb2: {  	_ =	swait.ge [sflag:s29], $0x1  }
0xb3: {  	[sflag:s29] =	ssyncadd.s32 $0xFFFFFFFF  }
0xb4: {  	_ =	strace $0x90000048  }
0xb5: {  	_ =	sfence  }
0xb6: {  	s30 =	sld [smem:$0x0];
	_ =	sdelay $0x2  }
0xb7: {  	s31 =	sshll.u32 s1, $0xD;
	s1 =	sshrl.u32 s1, $0x2  }
0xb8: {  	s3 =	sand.u32 $0x4000, s31;
	s1 =	sadd.s32 s1, s30  }
0xb9: {  	s0 =	sor.u32 s3, s0;
	s1 =	sshll.u32 s1, $0x11  }
0xba: {  	s0 =	sor.u32 s1, s0  }
0xbb: {  	s0 =	sadd.s32 $0x8F2B, s0  }
0xbc: {  	[sflag:s0] =	ssyncadd.remote.s32 $0x1  }
0xbd: {  	_ =	sfence.sel $0xFFFF  }
0xbe: {  	[dreg:$0x0] =	wrdreg $0xFFFFFFFF;
	(pc) =	sbr.abs _section_cstart, $3  }
0xbf: {  	[dreg:$0x1] =	wrdreg $0xFFFFFFFF  }
0xc0: {  	_ =	task.clear_ibuf [dreg:s6], $0x2FFFF;
	_ =	strace $0x9FFFFFFF  }
0xc1: {  	(tm) =	ssettm $0x7FFFFFFF  }
tec
execute0_lowered:
.L_overlay_start_1:
0x0: {  	(tag) =	ssettag $0x1  }
0x1: {  	s1 =	srdreg.scid  }
0x2: {  	s0 =	stileid.u32;
	s7 =	rddreg [dreg:$0x0]  }
0x3: {  	s2 =	simm.s32 $0x0;
	s10 =	simm.s32 $0x80;
	s11 =	simm.s32 $0x5900  }
0x4: {  	s12 =	simm.s32 $0x7900;
	s13 =	simm.s32 $0x1;
	s14 =	simm.s32 $0x40  }
0x5: {  	s15 =	simm.s32 $0x2;
	s4 =	sand.u32 $0x1, s1;
	s1 =	rddreg [dreg:$0x1]  }
0x6: {  	s16 =	simm.s32 $0x0;
	s3 =	sshll.u32 s0, $0xF;
	[smem:$0x7FF] =	sst s2  }
.Ltmp0:
0x7: {  	s5 =	sshll.u32 s4, $0xE;
	s8 =	ssub.s32 $0x2, s4;
	(pc) =	sbr.rel .LBB2_1-.Ltmp0, $4  }
0x8: {  	_ =	strace $0x80000047;
	s3 =	sor.u32 s5, s3;
	s9 =	sshrl.u32 s8, $0x1  }
0x9: {  	s4 =	sadd.s32 $0xF43600, s7;
	s5 =	sshrl.u32 s3, $0x3;
	s8 =	ssub.s32 s8, s9  }
0xa: {  	v1 =	vlaneseq.u32;
	s9 =	simm.s32 $0x3;
	s6 =	sadd.s32 s5, s7;
	s5 =	sadd.s32 $0x11200, s7  }
0xb: {  	v2 =	vimm.f32 $0.0e+00;
	v0 =	vmul.u32 $0x80, v1;
	v1 =	vmul.u32 $0x40, v1;
	s7 =	sadd.s32 $0x11208, s7;
	s8 =	smax.u32 s8, $0x1;
	s6 =	sadd.s32 $0x1200, s6  }
.LBB2_15:
0xc: {  	s16 =	sadd.s32 $0x1, s16  }
0xd: {  	p0 =	sne.s32 s16, s8  }
.Ltmp1:
0xe: {  	_ = 	snop;
	(pc) =	sbr.rel @!p0 .LBB2_16-.Ltmp1, $1  }
0xf: {  	_ =	sdelay $0x3  }
.LBB2_1:
0x10: {  	[tilespmem:s2], [sflag:$0x3] =	stream.linear.gather [hbm4b:s6+s2], $0x4000, $0x38;
	[tilespmem:$0x9900] =	vst v63  }
0x11: {  	_ =	swait.ge [sflag:s9], $0x4000  }
0x12: {  	[sflag:s9] =	ssyncset.done $0x0  }
0x13: {  	s17 =	simm.s32 $0x4000;
	s18 =	simm.s32 $0x0;
	[sflag:s9] =	ssyncadd.s32 $0xFFFFC000  }
.LBB2_2:
0x14: {  	v3 =	vmov s18;
	s19 =	simm.s32 $0x0  }
0x15: {  	v3 =	vand.u32 $0x3F, v3;
	v4 =	vmov s19  }
0x16: {  	v3 =	vbroadcast v3, $0x0;
	v4 =	vshll.u32 v4, $0x7  }
0x17: {  	v4 =	vor.u32 v0, v4  }
0x18: {  	v4 =	vor.u32 v3, v4;
	_ =	sdelay $0x3  }
0x19: {  	s30 =	simm.s32 $0x10  }
0x1a: {  	v6 =	vld.idx.msk [tilespmem:v4+s2+$0x0], $0xffff;
	v4 =	vmov s30  }
0x1b: {  	v4 =	vshll.u32 v4, $0x7  }
0x1c: {  	v4 =	vor.u32 v0, v4  }
0x1d: {  	v4 =	vor.u32 v3, v4;
	_ =	sdelay $0x2  }
0x1e: {  	s31 =	simm.s32 $0x20  }
0x1f: {  	s20 =	simm.s32 $0x30;
	v5 =	vmov s31;
	s19 =	smov.u32 s17;
	[tilespmem:s17+$0x0] =	vst v6  }
.LBB2_3:
0x20: {  	p0 =	sne.s32 s20, $0x70;
	v5 =	vshll.u32 v5, $0x7;
	v6 =	vld.idx.msk [tilespmem:v4+s2+$0x0], $0xffff  }
0x21: {  	v4 =	vor.u32 v0, v5  }
.Ltmp2:
0x22: {  	v4 =	vor.u32 v3, v4;
	(pc) =	sbr.rel @p0 .LBB2_3-.Ltmp2, $3  }
0x23: {  	_ =	sdelay $0x1  }
0x24: {  	s19 =	sadd.s32 $0x10, s19  }
0x25: {  	v5 =	vmov s20;
	s20 =	sadd.s32 $0x10, s20;
	[tilespmem:s19+$0x0] =	vst v6  }
0x26: {  	_ =	sdelay $0x2  }
0x27: {  	v5 =	vshll.u32 v5, $0x7  }
0x28: {  	v4 =	vld.idx.msk [tilespmem:v4+s2+$0x0], $0xffff;
	v5 =	vor.u32 v0, v5  }
0x29: {  	v3 =	vor.u32 v3, v5;
	_ =	sdelay $0x2  }
0x2a: {  	s19 =	sadd.s32 $0x10, s19  }
0x2b: {  	s18 =	sadd.s32 $0x1, s18;
	[tilespmem:s19+$0x0] =	vst v4  }
0x2c: {  	p0 =	sne.s32 s18, $0x32;
	v3 =	vld.idx.msk [tilespmem:v3+s2+$0x0], $0xffff  }
.Ltmp3:
0x2d: {  	_ = 	snop;
	(pc) =	sbr.rel @p0 .LBB2_2-.Ltmp3, $3  }
0x2e: {  	_ =	sdelay $0x1  }
0x2f: {  	s19 =	sadd.s32 $0x10, s19  }
0x30: {  	s17 =	sadd.s32 $0x80, s17;
	[tilespmem:s19+$0x0] =	vst v3  }
.Ltmp4:
0x31: {  	(pc) =	sbr.rel .LBB2_6-.Ltmp4, $4  }
0x32: {  	_ = 	snop  }
0x33: {  	s17 =	simm.s32 $0x4000  }
0x34: {  	s18 =	simm.s32 $0x0;
	s19 =	simm.s32 $0x4080;
	s20 =	simm.s32 $0x0  }
0x35: {  	[tilespmem:s11], [sflag:$0x1] =	stream.indirect.gather [hbm4b:s4+s10], $0x40, s17, s10, $0xb8;
	[tilespmem:$0x9900] =	vst v63  }
.LBB2_14:
0x36: {  	s20 =	sadd.s32 $0x1, s20  }
0x37: {  	p0 =	sne.s32 s20, $0x19  }
.Ltmp5:
0x38: {  	s21 =	sadd.s32 s22, s7;
	(pc) =	sbr.rel @!p0 .LBB2_15-.Ltmp5, $4  }
0x39: {  	[hbm4b:s21+s14] =	stream.strided.scatter [tilespmem:s12], [sflag:$0x3], $0x2000, s10, s14, $0x38;
	[tilespmem:$0x9900] =	vst v63  }
0x3a: {  	_ =	swait.ge [sflag:s9], $0x2000  }
0x3b: {  	[sflag:s9] =	ssyncset.done $0x0  }
0x3c: {  	s17 =	sadd.s32 $0x100, s17;
	s19 =	sadd.s32 $0x100, s19;
	[sflag:s9] =	ssyncadd.s32 $0xFFFFE000  }
.LBB2_6:
0x3d: {  	s21 =	sshll.u32 s20, $0x8  }
0x3e: {  	s21 =	sand.u32 $0x3FFFFF00, s21  }
0x3f: {  	s22 =	sadd.s32 $0x4080, s21  }
0x40: {  	[tilespmem:s12], [sflag:$0x2] =	stream.indirect.gather [hbm4b:s4+s10], $0x40, s22, s10, $0xb8;
	[tilespmem:$0x9900] =	vst v63  }
0x41: {  	_ =	swait.ge [sflag:s13], $0x2000  }
0x42: {  	[sflag:s13] =	ssyncset.done $0x0  }
0x43: {  	[sflag:s13] =	ssyncadd.s32 $0xFFFFE000  }
0x44: {  	v3 =	vld [tilespmem:s21+$0x4000]  }
0x45: {  	v4 =	vld [tilespmem:s21+$0x4010]  }
0x46: {  	v5 =	vld [tilespmem:s21+$0x4020]  }
0x47: {  	v6 =	vld [tilespmem:s21+$0x4030]  }
0x48: {  	v7 =	vld [tilespmem:s21+$0x4040]  }
0x49: {  	v8 =	vld [tilespmem:s21+$0x4050]  }
0x4a: {  	vm0 =	veq.s32 v3, $0x0;
	vm1 =	veq.s32 v4, $0x0;
	v3 =	vld [tilespmem:s21+$0x4060]  }
0x4b: {  	v61 =	vld [tilespmem:s21+$0x4070];
	vm10 =	veq.s32 v5, $0x0;
	v60 =	vmpcnt.ones.xlane vm0;
	v9 =	vmpcnt.ones.xlane vm1  }
0x4c: {  	vm11 =	veq.s32 v6, $0x0;
	v10 =	vmpcnt.ones.xlane vm10  }
0x4d: {  	vm12 =	veq.s32 v7, $0x0;
	v6 =	vmpcnt.ones.xlane vm11;
	v4 =	vadd.s32 v60, v9  }
0x4e: {  	vm13 =	veq.s32 v8, $0x0;
	v7 =	vmpcnt.ones.xlane vm12;
	v4 =	vadd.s32 v4, v10  }
0x4f: {  	v62 =	vmpcnt.ones.xlane vm13;
	v4 =	vadd.s32 v4, v6;
	vm14 =	veq.s32 v3, $0x0  }
0x50: {  	vm15 =	veq.s32 v61, $0x0;
	v3 =	vadd.s32 v4, v7;
	v63 =	vmpcnt.ones.xlane vm14  }
0x51: {  	v5 =	vmpcnt.ones.xlane vm15;
	v3 =	vadd.s32 v3, v62  }
0x52: {  	v3 =	vadd.s32 v3, v63  }
0x53: {  	v3 =	vadd.s32 v3, v5  }
0x54: {  	(xrf0) =	vadd.scan.msk.s32 $0xffff, v3;
	_ =	sdelay $0x5  }
0x55: {  	v3, _, _ =	vpop (xrf0)  }
0x56: {  	(v2sf) =	vpush v3, $0xF;
	_ =	sdelay $0xe  }
0x57: {  	s31 =	spop (v2sf)  }
0x58: {  	p0 =	slt.s32 s31, $0x1  }
.Ltmp6:
0x59: {  	_ = 	snop;
	(pc) =	sbr.rel @p0 .LBB2_10-.Ltmp6, $1  }
0x5a: {  	_ =	sdelay $0x3  }
0x5b: {  	v3 =	vld [tilespmem:s17+$0x0];
	_ =	sdelay $0x3  }
0x5c: {  	v4 =	vmov s18  }
0x5d: {  	vm0 =	veq.s32 v3, $0x0;
	v3 =	vshll.u32 v4, $0x6  }
0x5e: {  	v3 =	vor.u32 v1, v3  }
0x5f: {  	v4 =	vor.u32 $0x1, v3  }
0x60: {  	v5 =	vor.u32 $0x2, v3  }
0x61: {  	v6 =	vor.u32 $0x3, v3  }
0x62: {  	v7 =	vor.u32 $0x4, v3  }
0x63: {  	v8 =	vor.u32 $0x5, v3;
	[tilespmem:v3+s11+$0x0] =	vst.idx.msk vm0, v2  }
0x64: {  	[tilespmem:v4+s11+$0x0] =	vst.idx.msk vm0, v2;
	v4 =	vor.u32 $0x6, v3  }
0x65: {  	[tilespmem:v5+s11+$0x0] =	vst.idx.msk vm0, v2;
	v5 =	vor.u32 $0x7, v3  }
0x66: {  	v31 =	vor.u32 $0x8, v3;
	[tilespmem:v6+s11+$0x0] =	vst.idx.msk vm0, v2  }
0x67: {  	v32 =	vor.u32 $0x9, v3;
	[tilespmem:v7+s11+$0x0] =	vst.idx.msk vm0, v2  }
0x68: {  	v33 =	vor.u32 $0xA, v3;
	[tilespmem:v8+s11+$0x0] =	vst.idx.msk vm0, v2  }
0x69: {  	[tilespmem:v4+s11+$0x0] =	vst.idx.msk vm0, v2;
	v4 =	vor.u32 $0xB, v3  }
0x6a: {  	[tilespmem:v5+s11+$0x0] =	vst.idx.msk vm0, v2;
	v5 =	vor.u32 $0xC, v3  }
0x6b: {  	v34 =	vor.u32 $0xD, v3;
	[tilespmem:v31+s11+$0x0] =	vst.idx.msk vm0, v2  }
0x6c: {  	v35 =	vor.u32 $0xE, v3;
	[tilespmem:v32+s11+$0x0] =	vst.idx.msk vm0, v2  }
0x6d: {  	v36 =	vor.u32 $0xF, v3;
	[tilespmem:v33+s11+$0x0] =	vst.idx.msk vm0, v2  }
0x6e: {  	[tilespmem:v4+s11+$0x0] =	vst.idx.msk vm0, v2;
	v4 =	vor.u32 $0x10, v3  }
0x6f: {  	[tilespmem:v5+s11+$0x0] =	vst.idx.msk vm0, v2;
	v5 =	vor.u32 $0x11, v3  }
0x70: {  	v37 =	vor.u32 $0x12, v3;
	[tilespmem:v34+s11+$0x0] =	vst.idx.msk vm0, v2  }
0x71: {  	v38 =	vor.u32 $0x13, v3;
	[tilespmem:v35+s11+$0x0] =	vst.idx.msk vm0, v2  }
0x72: {  	v39 =	vor.u32 $0x14, v3;
	[tilespmem:v36+s11+$0x0] =	vst.idx.msk vm0, v2  }
0x73: {  	[tilespmem:v4+s11+$0x0] =	vst.idx.msk vm0, v2;
	v4 =	vor.u32 $0x15, v3  }
0x74: {  	[tilespmem:v5+s11+$0x0] =	vst.idx.msk vm0, v2;
	v5 =	vor.u32 $0x16, v3  }
0x75: {  	v40 =	vor.u32 $0x17, v3;
	[tilespmem:v37+s11+$0x0] =	vst.idx.msk vm0, v2  }
0x76: {  	v41 =	vor.u32 $0x18, v3;
	[tilespmem:v38+s11+$0x0] =	vst.idx.msk vm0, v2  }
0x77: {  	v42 =	vor.u32 $0x19, v3;
	[tilespmem:v39+s11+$0x0] =	vst.idx.msk vm0, v2  }
0x78: {  	[tilespmem:v4+s11+$0x0] =	vst.idx.msk vm0, v2;
	v4 =	vor.u32 $0x1A, v3  }
0x79: {  	[tilespmem:v5+s11+$0x0] =	vst.idx.msk vm0, v2;
	v5 =	vor.u32 $0x1B, v3  }
0x7a: {  	v43 =	vor.u32 $0x1C, v3;
	[tilespmem:v40+s11+$0x0] =	vst.idx.msk vm0, v2  }
0x7b: {  	v44 =	vor.u32 $0x1D, v3;
	[tilespmem:v41+s11+$0x0] =	vst.idx.msk vm0, v2  }
0x7c: {  	v45 =	vor.u32 $0x1E, v3;
	[tilespmem:v42+s11+$0x0] =	vst.idx.msk vm0, v2  }
0x7d: {  	[tilespmem:v4+s11+$0x0] =	vst.idx.msk vm0, v2;
	v4 =	vor.u32 $0x1F, v3  }
0x7e: {  	[tilespmem:v5+s11+$0x0] =	vst.idx.msk vm0, v2;
	v5 =	vor.u32 $0x20, v3  }
0x7f: {  	v46 =	vor.u32 $0x21, v3;
	[tilespmem:v43+s11+$0x0] =	vst.idx.msk vm0, v2  }
0x80: {  	v47 =	vor.u32 $0x22, v3;
	[tilespmem:v44+s11+$0x0] =	vst.idx.msk vm0, v2  }
0x81: {  	v48 =	vor.u32 $0x23, v3;
	[tilespmem:v45+s11+$0x0] =	vst.idx.msk vm0, v2  }
0x82: {  	[tilespmem:v4+s11+$0x0] =	vst.idx.msk vm0, v2;
	v4 =	vor.u32 $0x24, v3  }
0x83: {  	[tilespmem:v5+s11+$0x0] =	vst.idx.msk vm0, v2;
	v5 =	vor.u32 $0x25, v3  }
0x84: {  	v49 =	vor.u32 $0x26, v3;
	[tilespmem:v46+s11+$0x0] =	vst.idx.msk vm0, v2  }
0x85: {  	v50 =	vor.u32 $0x27, v3;
	[tilespmem:v47+s11+$0x0] =	vst.idx.msk vm0, v2  }
0x86: {  	v51 =	vor.u32 $0x28, v3;
	[tilespmem:v48+s11+$0x0] =	vst.idx.msk vm0, v2  }
0x87: {  	[tilespmem:v4+s11+$0x0] =	vst.idx.msk vm0, v2;
	v4 =	vor.u32 $0x29, v3  }
0x88: {  	[tilespmem:v5+s11+$0x0] =	vst.idx.msk vm0, v2;
	v5 =	vor.u32 $0x2A, v3  }
0x89: {  	v52 =	vor.u32 $0x2B, v3;
	[tilespmem:v49+s11+$0x0] =	vst.idx.msk vm0, v2  }
0x8a: {  	v53 =	vor.u32 $0x2C, v3;
	[tilespmem:v50+s11+$0x0] =	vst.idx.msk vm0, v2  }
0x8b: {  	v54 =	vor.u32 $0x2D, v3;
	[tilespmem:v51+s11+$0x0] =	vst.idx.msk vm0, v2  }
0x8c: {  	[tilespmem:v4+s11+$0x0] =	vst.idx.msk vm0, v2;
	v4 =	vor.u32 $0x2E, v3  }
0x8d: {  	[tilespmem:v5+s11+$0x0] =	vst.idx.msk vm0, v2;
	v5 =	vor.u32 $0x2F, v3  }
0x8e: {  	v55 =	vor.u32 $0x30, v3;
	[tilespmem:v52+s11+$0x0] =	vst.idx.msk vm0, v2  }
0x8f: {  	v56 =	vor.u32 $0x31, v3;
	[tilespmem:v53+s11+$0x0] =	vst.idx.msk vm0, v2  }
0x90: {  	v57 =	vor.u32 $0x32, v3;
	[tilespmem:v54+s11+$0x0] =	vst.idx.msk vm0, v2  }
0x91: {  	[tilespmem:v4+s11+$0x0] =	vst.idx.msk vm0, v2;
	v4 =	vor.u32 $0x33, v3  }
0x92: {  	[tilespmem:v5+s11+$0x0] =	vst.idx.msk vm0, v2;
	v5 =	vor.u32 $0x34, v3  }
0x93: {  	v58 =	vor.u32 $0x35, v3;
	[tilespmem:v55+s11+$0x0] =	vst.idx.msk vm0, v2  }
0x94: {  	v59 =	vor.u32 $0x36, v3;
	[tilespmem:v56+s11+$0x0] =	vst.idx.msk vm0, v2  }
0x95: {  	v60 =	vor.u32 $0x37, v3;
	[tilespmem:v57+s11+$0x0] =	vst.idx.msk vm0, v2  }
0x96: {  	[tilespmem:v4+s11+$0x0] =	vst.idx.msk vm0, v2;
	v4 =	vor.u32 $0x38, v3  }
0x97: {  	[tilespmem:v5+s11+$0x0] =	vst.idx.msk vm0, v2;
	v5 =	vor.u32 $0x39, v3  }
0x98: {  	v61 =	vor.u32 $0x3A, v3;
	[tilespmem:v58+s11+$0x0] =	vst.idx.msk vm0, v2  }
0x99: {  	v62 =	vor.u32 $0x3B, v3;
	[tilespmem:v59+s11+$0x0] =	vst.idx.msk vm0, v2  }
0x9a: {  	v63 =	vor.u32 $0x3C, v3;
	[tilespmem:v60+s11+$0x0] =	vst.idx.msk vm0, v2  }
0x9b: {  	[tilespmem:v4+s11+$0x0] =	vst.idx.msk vm0, v2;
	v4 =	vor.u32 $0x3D, v3  }
0x9c: {  	[tilespmem:v5+s11+$0x0] =	vst.idx.msk vm0, v2;
	v5 =	vor.u32 $0x3E, v3  }
0x9d: {  	[tilespmem:v61+s11+$0x0] =	vst.idx.msk vm0, v2  }
0x9e: {  	v3 =	vor.u32 $0x3F, v3;
	[tilespmem:v62+s11+$0x0] =	vst.idx.msk vm0, v2  }
0x9f: {  	[tilespmem:v63+s11+$0x0] =	vst.idx.msk vm0, v2  }
0xa0: {  	[tilespmem:v4+s11+$0x0] =	vst.idx.msk vm0, v2  }
0xa1: {  	s22 =	simm.s32 $0x10;
	s23 =	smov.u32 s17;
	[tilespmem:v5+s11+$0x0] =	vst.idx.msk vm0, v2  }
.LBB2_8:
0xa2: {  	p0 =	sne.s32 s22, $0x70  }
0xa3: {  	[tilespmem:v3+s11+$0x0] =	vst.idx.msk vm0, v2;
	s23 =	sadd.s32 $0x10, s23;
	s24 =	smov.u32 s22;
	s22 =	sadd.s32 $0x10, s22  }
0xa4: {  	v3 =	vld [tilespmem:s23+$0x0];
	_ =	sdelay $0x3  }
0xa5: {  	v4 =	vmov s24  }
0xa6: {  	vm0 =	veq.s32 v3, $0x0;
	v3 =	vshll.u32 v4, $0x6  }
0xa7: {  	v3 =	vor.u32 v1, v3  }
0xa8: {  	v4 =	vor.u32 $0x1, v3  }
0xa9: {  	v5 =	vor.u32 $0x2, v3  }
0xaa: {  	v6 =	vor.u32 $0x3, v3  }
0xab: {  	v7 =	vor.u32 $0x4, v3  }
0xac: {  	v8 =	vor.u32 $0x5, v3;
	[tilespmem:v3+s11+$0x0] =	vst.idx.msk vm0, v2  }
0xad: {  	[tilespmem:v4+s11+$0x0] =	vst.idx.msk vm0, v2;
	v4 =	vor.u32 $0x6, v3  }
0xae: {  	[tilespmem:v5+s11+$0x0] =	vst.idx.msk vm0, v2;
	v5 =	vor.u32 $0x7, v3  }
0xaf: {  	[tilespmem:v6+s11+$0x0] =	vst.idx.msk vm0, v2;
	v6 =	vor.u32 $0x8, v3  }
0xb0: {  	[tilespmem:v7+s11+$0x0] =	vst.idx.msk vm0, v2;
	v7 =	vor.u32 $0x9, v3  }
0xb1: {  	[tilespmem:v8+s11+$0x0] =	vst.idx.msk vm0, v2;
	v8 =	vor.u32 $0xA, v3  }
0xb2: {  	[tilespmem:v4+s11+$0x0] =	vst.idx.msk vm0, v2;
	v4 =	vor.u32 $0xB, v3  }
0xb3: {  	[tilespmem:v5+s11+$0x0] =	vst.idx.msk vm0, v2;
	v5 =	vor.u32 $0xC, v3  }
0xb4: {  	[tilespmem:v6+s11+$0x0] =	vst.idx.msk vm0, v2;
	v6 =	vor.u32 $0xD, v3  }
0xb5: {  	[tilespmem:v7+s11+$0x0] =	vst.idx.msk vm0, v2;
	v7 =	vor.u32 $0xE, v3  }
0xb6: {  	[tilespmem:v8+s11+$0x0] =	vst.idx.msk vm0, v2;
	v8 =	vor.u32 $0xF, v3  }
0xb7: {  	[tilespmem:v4+s11+$0x0] =	vst.idx.msk vm0, v2;
	v4 =	vor.u32 $0x10, v3  }
0xb8: {  	[tilespmem:v5+s11+$0x0] =	vst.idx.msk vm0, v2;
	v5 =	vor.u32 $0x11, v3  }
0xb9: {  	[tilespmem:v6+s11+$0x0] =	vst.idx.msk vm0, v2;
	v6 =	vor.u32 $0x12, v3  }
0xba: {  	[tilespmem:v7+s11+$0x0] =	vst.idx.msk vm0, v2;
	v7 =	vor.u32 $0x13, v3  }
0xbb: {  	[tilespmem:v8+s11+$0x0] =	vst.idx.msk vm0, v2;
	v8 =	vor.u32 $0x14, v3  }
0xbc: {  	[tilespmem:v4+s11+$0x0] =	vst.idx.msk vm0, v2;
	v4 =	vor.u32 $0x15, v3  }
0xbd: {  	[tilespmem:v5+s11+$0x0] =	vst.idx.msk vm0, v2;
	v5 =	vor.u32 $0x16, v3  }
0xbe: {  	[tilespmem:v6+s11+$0x0] =	vst.idx.msk vm0, v2;
	v6 =	vor.u32 $0x17, v3  }
0xbf: {  	[tilespmem:v7+s11+$0x0] =	vst.idx.msk vm0, v2;
	v7 =	vor.u32 $0x18, v3  }
0xc0: {  	[tilespmem:v8+s11+$0x0] =	vst.idx.msk vm0, v2;
	v8 =	vor.u32 $0x19, v3  }
0xc1: {  	[tilespmem:v4+s11+$0x0] =	vst.idx.msk vm0, v2;
	v4 =	vor.u32 $0x1A, v3  }
0xc2: {  	[tilespmem:v5+s11+$0x0] =	vst.idx.msk vm0, v2;
	v5 =	vor.u32 $0x1B, v3  }
0xc3: {  	[tilespmem:v6+s11+$0x0] =	vst.idx.msk vm0, v2;
	v6 =	vor.u32 $0x1C, v3  }
0xc4: {  	[tilespmem:v7+s11+$0x0] =	vst.idx.msk vm0, v2;
	v7 =	vor.u32 $0x1D, v3  }
0xc5: {  	[tilespmem:v8+s11+$0x0] =	vst.idx.msk vm0, v2;
	v8 =	vor.u32 $0x1E, v3  }
0xc6: {  	[tilespmem:v4+s11+$0x0] =	vst.idx.msk vm0, v2;
	v4 =	vor.u32 $0x1F, v3  }
0xc7: {  	[tilespmem:v5+s11+$0x0] =	vst.idx.msk vm0, v2;
	v5 =	vor.u32 $0x20, v3  }
0xc8: {  	[tilespmem:v6+s11+$0x0] =	vst.idx.msk vm0, v2;
	v6 =	vor.u32 $0x21, v3  }
0xc9: {  	[tilespmem:v7+s11+$0x0] =	vst.idx.msk vm0, v2;
	v7 =	vor.u32 $0x22, v3  }
0xca: {  	[tilespmem:v8+s11+$0x0] =	vst.idx.msk vm0, v2;
	v8 =	vor.u32 $0x23, v3  }
0xcb: {  	[tilespmem:v4+s11+$0x0] =	vst.idx.msk vm0, v2;
	v4 =	vor.u32 $0x24, v3  }
0xcc: {  	[tilespmem:v5+s11+$0x0] =	vst.idx.msk vm0, v2;
	v5 =	vor.u32 $0x25, v3  }
0xcd: {  	[tilespmem:v6+s11+$0x0] =	vst.idx.msk vm0, v2;
	v6 =	vor.u32 $0x26, v3  }
0xce: {  	[tilespmem:v7+s11+$0x0] =	vst.idx.msk vm0, v2;
	v7 =	vor.u32 $0x27, v3  }
0xcf: {  	[tilespmem:v8+s11+$0x0] =	vst.idx.msk vm0, v2;
	v8 =	vor.u32 $0x28, v3  }
0xd0: {  	[tilespmem:v4+s11+$0x0] =	vst.idx.msk vm0, v2;
	v4 =	vor.u32 $0x29, v3  }
0xd1: {  	[tilespmem:v5+s11+$0x0] =	vst.idx.msk vm0, v2;
	v5 =	vor.u32 $0x2A, v3  }
0xd2: {  	[tilespmem:v6+s11+$0x0] =	vst.idx.msk vm0, v2;
	v6 =	vor.u32 $0x2B, v3  }
0xd3: {  	[tilespmem:v7+s11+$0x0] =	vst.idx.msk vm0, v2;
	v7 =	vor.u32 $0x2C, v3  }
0xd4: {  	[tilespmem:v8+s11+$0x0] =	vst.idx.msk vm0, v2;
	v8 =	vor.u32 $0x2D, v3  }
0xd5: {  	[tilespmem:v4+s11+$0x0] =	vst.idx.msk vm0, v2;
	v4 =	vor.u32 $0x2E, v3  }
0xd6: {  	[tilespmem:v5+s11+$0x0] =	vst.idx.msk vm0, v2;
	v5 =	vor.u32 $0x2F, v3  }
0xd7: {  	[tilespmem:v6+s11+$0x0] =	vst.idx.msk vm0, v2;
	v6 =	vor.u32 $0x30, v3  }
0xd8: {  	[tilespmem:v7+s11+$0x0] =	vst.idx.msk vm0, v2;
	v7 =	vor.u32 $0x31, v3  }
0xd9: {  	[tilespmem:v8+s11+$0x0] =	vst.idx.msk vm0, v2;
	v8 =	vor.u32 $0x32, v3  }
0xda: {  	[tilespmem:v4+s11+$0x0] =	vst.idx.msk vm0, v2;
	v4 =	vor.u32 $0x33, v3  }
0xdb: {  	[tilespmem:v5+s11+$0x0] =	vst.idx.msk vm0, v2;
	v5 =	vor.u32 $0x34, v3  }
0xdc: {  	[tilespmem:v6+s11+$0x0] =	vst.idx.msk vm0, v2;
	v6 =	vor.u32 $0x35, v3  }
0xdd: {  	[tilespmem:v7+s11+$0x0] =	vst.idx.msk vm0, v2;
	v7 =	vor.u32 $0x36, v3  }
0xde: {  	[tilespmem:v8+s11+$0x0] =	vst.idx.msk vm0, v2;
	v8 =	vor.u32 $0x37, v3  }
0xdf: {  	[tilespmem:v4+s11+$0x0] =	vst.idx.msk vm0, v2;
	v4 =	vor.u32 $0x38, v3  }
0xe0: {  	[tilespmem:v5+s11+$0x0] =	vst.idx.msk vm0, v2;
	v5 =	vor.u32 $0x39, v3  }
0xe1: {  	[tilespmem:v6+s11+$0x0] =	vst.idx.msk vm0, v2;
	v6 =	vor.u32 $0x3A, v3  }
0xe2: {  	[tilespmem:v7+s11+$0x0] =	vst.idx.msk vm0, v2;
	v7 =	vor.u32 $0x3B, v3  }
0xe3: {  	[tilespmem:v8+s11+$0x0] =	vst.idx.msk vm0, v2;
	v8 =	vor.u32 $0x3C, v3  }
0xe4: {  	[tilespmem:v4+s11+$0x0] =	vst.idx.msk vm0, v2;
	v4 =	vor.u32 $0x3D, v3  }
0xe5: {  	[tilespmem:v5+s11+$0x0] =	vst.idx.msk vm0, v2;
	v5 =	vor.u32 $0x3E, v3  }
.Ltmp7:
0xe6: {  	v3 =	vor.u32 $0x3F, v3;
	[tilespmem:v6+s11+$0x0] =	vst.idx.msk vm0, v2;
	(pc) =	sbr.rel @p0 .LBB2_8-.Ltmp7, $4  }
0xe7: {  	[tilespmem:v7+s11+$0x0] =	vst.idx.msk vm0, v2  }
0xe8: {  	[tilespmem:v8+s11+$0x0] =	vst.idx.msk vm0, v2  }
0xe9: {  	[tilespmem:v4+s11+$0x0] =	vst.idx.msk vm0, v2  }
0xea: {  	[tilespmem:v5+s11+$0x0] =	vst.idx.msk vm0, v2  }
0xeb: {  	_ =	sdelay $0x4  }
0xec: {  	[tilespmem:v3+s11+$0x0] =	vst.idx.msk vm0, v2  }
.LBB2_10:
0xed: {  	s22 =	sshll.u32 s20, $0x13  }
0xee: {  	s22 =	sor.u32 s3, s22  }
0xef: {  	s22 =	sshrl.u32 s22, $0x3  }
0xf0: {  	s23 =	sadd.s32 s5, s22  }
0xf1: {  	[hbm4b:s23+s14] =	stream.strided.scatter [tilespmem:s11], [sflag:$0x3], $0x2000, s10, s14, $0x38;
	[tilespmem:$0x9900] =	vst v63  }
0xf2: {  	p0 =	seq.s32 s20, $0x18;
	_ =	swait.ge [sflag:s9], $0x2000  }
0xf3: {  	s24 =	simm.s32 @!p0 $0x80;
	[sflag:s9] =	ssyncset.done $0x0  }
0xf4: {  	s25 =	simm.s32 @!p0 $0x5900;
	s23 =	sadd.s32 @!p0 $0x4100, s21;
	[sflag:s9] =	ssyncadd.s32 $0xFFFFE000  }
0xf5: {  	[tilespmem:s25], [sflag:$0x1] =	stream.indirect.gather @!p0 [hbm4b:s4+s24], $0x40, s23, s24, $0xb8;
	[tilespmem:$0x9900] =	vst v63  }
0xf6: {  	_ =	swait.ge [sflag:s15], $0x2000  }
0xf7: {  	[sflag:s15] =	ssyncset.done $0x0  }
0xf8: {  	[sflag:s15] =	ssyncadd.s32 $0xFFFFE000  }
0xf9: {  	v3 =	vld [tilespmem:s21+$0x4080]  }
0xfa: {  	v4 =	vld [tilespmem:s21+$0x4090]  }
0xfb: {  	v5 =	vld [tilespmem:s21+$0x40A0]  }
0xfc: {  	v6 =	vld [tilespmem:s21+$0x40B0]  }
0xfd: {  	v7 =	vld [tilespmem:s21+$0x40C0]  }
0xfe: {  	v8 =	vld [tilespmem:s21+$0x40D0]  }
0xff: {  	vm0 =	veq.s32 v3, $0x0;
	vm1 =	veq.s32 v4, $0x0;
	v3 =	vld [tilespmem:s21+$0x40E0]  }
0x100: {  	v61 =	vld [tilespmem:s21+$0x40F0];
	vm10 =	veq.s32 v5, $0x0;
	v60 =	vmpcnt.ones.xlane vm0;
	v9 =	vmpcnt.ones.xlane vm1  }
0x101: {  	vm11 =	veq.s32 v6, $0x0;
	v10 =	vmpcnt.ones.xlane vm10  }
0x102: {  	vm12 =	veq.s32 v7, $0x0;
	v6 =	vmpcnt.ones.xlane vm11;
	v4 =	vadd.s32 v60, v9  }
0x103: {  	vm13 =	veq.s32 v8, $0x0;
	v7 =	vmpcnt.ones.xlane vm12;
	v4 =	vadd.s32 v4, v10  }
0x104: {  	v62 =	vmpcnt.ones.xlane vm13;
	v4 =	vadd.s32 v4, v6;
	vm14 =	veq.s32 v3, $0x0  }
0x105: {  	vm15 =	veq.s32 v61, $0x0;
	v3 =	vadd.s32 v4, v7;
	v63 =	vmpcnt.ones.xlane vm14  }
0x106: {  	v5 =	vmpcnt.ones.xlane vm15;
	v3 =	vadd.s32 v3, v62  }
0x107: {  	v3 =	vadd.s32 v3, v63  }
0x108: {  	v3 =	vadd.s32 v3, v5  }
0x109: {  	(xrf0) =	vadd.scan.msk.s32 $0xffff, v3;
	_ =	sdelay $0x5  }
0x10a: {  	v3, _, _ =	vpop (xrf0)  }
0x10b: {  	(v2sf) =	vpush v3, $0xF;
	_ =	sdelay $0xe  }
0x10c: {  	s31 =	spop (v2sf)  }
0x10d: {  	p0 =	slt.s32 s31, $0x1  }
.Ltmp8:
0x10e: {  	_ = 	snop;
	(pc) =	sbr.rel @p0 .LBB2_14-.Ltmp8, $2  }
0x10f: {  	_ =	sdelay $0x2  }
0x110: {  	s21 =	simm.s32 $0x0  }
0x111: {  	v3 =	vld [tilespmem:s19+$0x0];
	_ =	sdelay $0x3  }
0x112: {  	v4 =	vmov s21  }
0x113: {  	vm0 =	veq.s32 v3, $0x0;
	v3 =	vshll.u32 v4, $0x6  }
0x114: {  	v3 =	vor.u32 v1, v3  }
0x115: {  	v4 =	vor.u32 $0x1, v3  }
0x116: {  	v5 =	vor.u32 $0x2, v3  }
0x117: {  	v6 =	vor.u32 $0x3, v3  }
0x118: {  	v7 =	vor.u32 $0x4, v3  }
0x119: {  	v8 =	vor.u32 $0x5, v3;
	[tilespmem:v3+s12+$0x0] =	vst.idx.msk vm0, v2  }
0x11a: {  	[tilespmem:v4+s12+$0x0] =	vst.idx.msk vm0, v2;
	v4 =	vor.u32 $0x6, v3  }
0x11b: {  	[tilespmem:v5+s12+$0x0] =	vst.idx.msk vm0, v2;
	v5 =	vor.u32 $0x7, v3  }
0x11c: {  	v31 =	vor.u32 $0x8, v3;
	[tilespmem:v6+s12+$0x0] =	vst.idx.msk vm0, v2  }
0x11d: {  	v32 =	vor.u32 $0x9, v3;
	[tilespmem:v7+s12+$0x0] =	vst.idx.msk vm0, v2  }
0x11e: {  	v33 =	vor.u32 $0xA, v3;
	[tilespmem:v8+s12+$0x0] =	vst.idx.msk vm0, v2  }
0x11f: {  	[tilespmem:v4+s12+$0x0] =	vst.idx.msk vm0, v2;
	v4 =	vor.u32 $0xB, v3  }
0x120: {  	[tilespmem:v5+s12+$0x0] =	vst.idx.msk vm0, v2;
	v5 =	vor.u32 $0xC, v3  }
0x121: {  	v34 =	vor.u32 $0xD, v3;
	[tilespmem:v31+s12+$0x0] =	vst.idx.msk vm0, v2  }
0x122: {  	v35 =	vor.u32 $0xE, v3;
	[tilespmem:v32+s12+$0x0] =	vst.idx.msk vm0, v2  }
0x123: {  	v36 =	vor.u32 $0xF, v3;
	[tilespmem:v33+s12+$0x0] =	vst.idx.msk vm0, v2  }
0x124: {  	[tilespmem:v4+s12+$0x0] =	vst.idx.msk vm0, v2;
	v4 =	vor.u32 $0x10, v3  }
0x125: {  	[tilespmem:v5+s12+$0x0] =	vst.idx.msk vm0, v2;
	v5 =	vor.u32 $0x11, v3  }
0x126: {  	v37 =	vor.u32 $0x12, v3;
	[tilespmem:v34+s12+$0x0] =	vst.idx.msk vm0, v2  }
0x127: {  	v38 =	vor.u32 $0x13, v3;
	[tilespmem:v35+s12+$0x0] =	vst.idx.msk vm0, v2  }
0x128: {  	v39 =	vor.u32 $0x14, v3;
	[tilespmem:v36+s12+$0x0] =	vst.idx.msk vm0, v2  }
0x129: {  	[tilespmem:v4+s12+$0x0] =	vst.idx.msk vm0, v2;
	v4 =	vor.u32 $0x15, v3  }
0x12a: {  	[tilespmem:v5+s12+$0x0] =	vst.idx.msk vm0, v2;
	v5 =	vor.u32 $0x16, v3  }
0x12b: {  	v40 =	vor.u32 $0x17, v3;
	[tilespmem:v37+s12+$0x0] =	vst.idx.msk vm0, v2  }
0x12c: {  	v41 =	vor.u32 $0x18, v3;
	[tilespmem:v38+s12+$0x0] =	vst.idx.msk vm0, v2  }
0x12d: {  	v42 =	vor.u32 $0x19, v3;
	[tilespmem:v39+s12+$0x0] =	vst.idx.msk vm0, v2  }
0x12e: {  	[tilespmem:v4+s12+$0x0] =	vst.idx.msk vm0, v2;
	v4 =	vor.u32 $0x1A, v3  }
0x12f: {  	[tilespmem:v5+s12+$0x0] =	vst.idx.msk vm0, v2;
	v5 =	vor.u32 $0x1B, v3  }
0x130: {  	v43 =	vor.u32 $0x1C, v3;
	[tilespmem:v40+s12+$0x0] =	vst.idx.msk vm0, v2  }
0x131: {  	v44 =	vor.u32 $0x1D, v3;
	[tilespmem:v41+s12+$0x0] =	vst.idx.msk vm0, v2  }
0x132: {  	v45 =	vor.u32 $0x1E, v3;
	[tilespmem:v42+s12+$0x0] =	vst.idx.msk vm0, v2  }
0x133: {  	[tilespmem:v4+s12+$0x0] =	vst.idx.msk vm0, v2;
	v4 =	vor.u32 $0x1F, v3  }
0x134: {  	[tilespmem:v5+s12+$0x0] =	vst.idx.msk vm0, v2;
	v5 =	vor.u32 $0x20, v3  }
0x135: {  	v46 =	vor.u32 $0x21, v3;
	[tilespmem:v43+s12+$0x0] =	vst.idx.msk vm0, v2  }
0x136: {  	v47 =	vor.u32 $0x22, v3;
	[tilespmem:v44+s12+$0x0] =	vst.idx.msk vm0, v2  }
0x137: {  	v48 =	vor.u32 $0x23, v3;
	[tilespmem:v45+s12+$0x0] =	vst.idx.msk vm0, v2  }
0x138: {  	[tilespmem:v4+s12+$0x0] =	vst.idx.msk vm0, v2;
	v4 =	vor.u32 $0x24, v3  }
0x139: {  	[tilespmem:v5+s12+$0x0] =	vst.idx.msk vm0, v2;
	v5 =	vor.u32 $0x25, v3  }
0x13a: {  	v49 =	vor.u32 $0x26, v3;
	[tilespmem:v46+s12+$0x0] =	vst.idx.msk vm0, v2  }
0x13b: {  	v50 =	vor.u32 $0x27, v3;
	[tilespmem:v47+s12+$0x0] =	vst.idx.msk vm0, v2  }
0x13c: {  	v51 =	vor.u32 $0x28, v3;
	[tilespmem:v48+s12+$0x0] =	vst.idx.msk vm0, v2  }
0x13d: {  	[tilespmem:v4+s12+$0x0] =	vst.idx.msk vm0, v2;
	v4 =	vor.u32 $0x29, v3  }
0x13e: {  	[tilespmem:v5+s12+$0x0] =	vst.idx.msk vm0, v2;
	v5 =	vor.u32 $0x2A, v3  }
0x13f: {  	v52 =	vor.u32 $0x2B, v3;
	[tilespmem:v49+s12+$0x0] =	vst.idx.msk vm0, v2  }
0x140: {  	v53 =	vor.u32 $0x2C, v3;
	[tilespmem:v50+s12+$0x0] =	vst.idx.msk vm0, v2  }
0x141: {  	v54 =	vor.u32 $0x2D, v3;
	[tilespmem:v51+s12+$0x0] =	vst.idx.msk vm0, v2  }
0x142: {  	[tilespmem:v4+s12+$0x0] =	vst.idx.msk vm0, v2;
	v4 =	vor.u32 $0x2E, v3  }
0x143: {  	[tilespmem:v5+s12+$0x0] =	vst.idx.msk vm0, v2;
	v5 =	vor.u32 $0x2F, v3  }
0x144: {  	v55 =	vor.u32 $0x30, v3;
	[tilespmem:v52+s12+$0x0] =	vst.idx.msk vm0, v2  }
0x145: {  	v56 =	vor.u32 $0x31, v3;
	[tilespmem:v53+s12+$0x0] =	vst.idx.msk vm0, v2  }
0x146: {  	v57 =	vor.u32 $0x32, v3;
	[tilespmem:v54+s12+$0x0] =	vst.idx.msk vm0, v2  }
0x147: {  	[tilespmem:v4+s12+$0x0] =	vst.idx.msk vm0, v2;
	v4 =	vor.u32 $0x33, v3  }
0x148: {  	[tilespmem:v5+s12+$0x0] =	vst.idx.msk vm0, v2;
	v5 =	vor.u32 $0x34, v3  }
0x149: {  	v58 =	vor.u32 $0x35, v3;
	[tilespmem:v55+s12+$0x0] =	vst.idx.msk vm0, v2  }
0x14a: {  	v59 =	vor.u32 $0x36, v3;
	[tilespmem:v56+s12+$0x0] =	vst.idx.msk vm0, v2  }
0x14b: {  	v60 =	vor.u32 $0x37, v3;
	[tilespmem:v57+s12+$0x0] =	vst.idx.msk vm0, v2  }
0x14c: {  	[tilespmem:v4+s12+$0x0] =	vst.idx.msk vm0, v2;
	v4 =	vor.u32 $0x38, v3  }
0x14d: {  	[tilespmem:v5+s12+$0x0] =	vst.idx.msk vm0, v2;
	v5 =	vor.u32 $0x39, v3  }
0x14e: {  	v61 =	vor.u32 $0x3A, v3;
	[tilespmem:v58+s12+$0x0] =	vst.idx.msk vm0, v2  }
0x14f: {  	v62 =	vor.u32 $0x3B, v3;
	[tilespmem:v59+s12+$0x0] =	vst.idx.msk vm0, v2  }
0x150: {  	v63 =	vor.u32 $0x3C, v3;
	[tilespmem:v60+s12+$0x0] =	vst.idx.msk vm0, v2  }
0x151: {  	[tilespmem:v4+s12+$0x0] =	vst.idx.msk vm0, v2;
	v4 =	vor.u32 $0x3D, v3  }
0x152: {  	[tilespmem:v5+s12+$0x0] =	vst.idx.msk vm0, v2;
	v5 =	vor.u32 $0x3E, v3  }
0x153: {  	[tilespmem:v61+s12+$0x0] =	vst.idx.msk vm0, v2  }
0x154: {  	v3 =	vor.u32 $0x3F, v3;
	[tilespmem:v62+s12+$0x0] =	vst.idx.msk vm0, v2  }
0x155: {  	[tilespmem:v63+s12+$0x0] =	vst.idx.msk vm0, v2  }
0x156: {  	[tilespmem:v4+s12+$0x0] =	vst.idx.msk vm0, v2  }
0x157: {  	s21 =	simm.s32 $0x10;
	s23 =	smov.u32 s19;
	[tilespmem:v5+s12+$0x0] =	vst.idx.msk vm0, v2  }
.LBB2_12:
0x158: {  	p0 =	sne.s32 s21, $0x70  }
0x159: {  	[tilespmem:v3+s12+$0x0] =	vst.idx.msk vm0, v2;
	s23 =	sadd.s32 $0x10, s23;
	s24 =	smov.u32 s21;
	s21 =	sadd.s32 $0x10, s21  }
0x15a: {  	v3 =	vld [tilespmem:s23+$0x0];
	_ =	sdelay $0x3  }
0x15b: {  	v4 =	vmov s24  }
0x15c: {  	vm0 =	veq.s32 v3, $0x0;
	v3 =	vshll.u32 v4, $0x6  }
0x15d: {  	v3 =	vor.u32 v1, v3  }
0x15e: {  	v4 =	vor.u32 $0x1, v3  }
0x15f: {  	v5 =	vor.u32 $0x2, v3  }
0x160: {  	v6 =	vor.u32 $0x3, v3  }
0x161: {  	v7 =	vor.u32 $0x4, v3  }
0x162: {  	v8 =	vor.u32 $0x5, v3;
	[tilespmem:v3+s12+$0x0] =	vst.idx.msk vm0, v2  }
0x163: {  	[tilespmem:v4+s12+$0x0] =	vst.idx.msk vm0, v2;
	v4 =	vor.u32 $0x6, v3  }
0x164: {  	[tilespmem:v5+s12+$0x0] =	vst.idx.msk vm0, v2;
	v5 =	vor.u32 $0x7, v3  }
0x165: {  	[tilespmem:v6+s12+$0x0] =	vst.idx.msk vm0, v2;
	v6 =	vor.u32 $0x8, v3  }
0x166: {  	[tilespmem:v7+s12+$0x0] =	vst.idx.msk vm0, v2;
	v7 =	vor.u32 $0x9, v3  }
0x167: {  	[tilespmem:v8+s12+$0x0] =	vst.idx.msk vm0, v2;
	v8 =	vor.u32 $0xA, v3  }
0x168: {  	[tilespmem:v4+s12+$0x0] =	vst.idx.msk vm0, v2;
	v4 =	vor.u32 $0xB, v3  }
0x169: {  	[tilespmem:v5+s12+$0x0] =	vst.idx.msk vm0, v2;
	v5 =	vor.u32 $0xC, v3  }
0x16a: {  	[tilespmem:v6+s12+$0x0] =	vst.idx.msk vm0, v2;
	v6 =	vor.u32 $0xD, v3  }
0x16b: {  	[tilespmem:v7+s12+$0x0] =	vst.idx.msk vm0, v2;
	v7 =	vor.u32 $0xE, v3  }
0x16c: {  	[tilespmem:v8+s12+$0x0] =	vst.idx.msk vm0, v2;
	v8 =	vor.u32 $0xF, v3  }
0x16d: {  	[tilespmem:v4+s12+$0x0] =	vst.idx.msk vm0, v2;
	v4 =	vor.u32 $0x10, v3  }
0x16e: {  	[tilespmem:v5+s12+$0x0] =	vst.idx.msk vm0, v2;
	v5 =	vor.u32 $0x11, v3  }
0x16f: {  	[tilespmem:v6+s12+$0x0] =	vst.idx.msk vm0, v2;
	v6 =	vor.u32 $0x12, v3  }
0x170: {  	[tilespmem:v7+s12+$0x0] =	vst.idx.msk vm0, v2;
	v7 =	vor.u32 $0x13, v3  }
0x171: {  	[tilespmem:v8+s12+$0x0] =	vst.idx.msk vm0, v2;
	v8 =	vor.u32 $0x14, v3  }
0x172: {  	[tilespmem:v4+s12+$0x0] =	vst.idx.msk vm0, v2;
	v4 =	vor.u32 $0x15, v3  }
0x173: {  	[tilespmem:v5+s12+$0x0] =	vst.idx.msk vm0, v2;
	v5 =	vor.u32 $0x16, v3  }
0x174: {  	[tilespmem:v6+s12+$0x0] =	vst.idx.msk vm0, v2;
	v6 =	vor.u32 $0x17, v3  }
0x175: {  	[tilespmem:v7+s12+$0x0] =	vst.idx.msk vm0, v2;
	v7 =	vor.u32 $0x18, v3  }
0x176: {  	[tilespmem:v8+s12+$0x0] =	vst.idx.msk vm0, v2;
	v8 =	vor.u32 $0x19, v3  }
0x177: {  	[tilespmem:v4+s12+$0x0] =	vst.idx.msk vm0, v2;
	v4 =	vor.u32 $0x1A, v3  }
0x178: {  	[tilespmem:v5+s12+$0x0] =	vst.idx.msk vm0, v2;
	v5 =	vor.u32 $0x1B, v3  }
0x179: {  	[tilespmem:v6+s12+$0x0] =	vst.idx.msk vm0, v2;
	v6 =	vor.u32 $0x1C, v3  }
0x17a: {  	[tilespmem:v7+s12+$0x0] =	vst.idx.msk vm0, v2;
	v7 =	vor.u32 $0x1D, v3  }
0x17b: {  	[tilespmem:v8+s12+$0x0] =	vst.idx.msk vm0, v2;
	v8 =	vor.u32 $0x1E, v3  }
0x17c: {  	[tilespmem:v4+s12+$0x0] =	vst.idx.msk vm0, v2;
	v4 =	vor.u32 $0x1F, v3  }
0x17d: {  	[tilespmem:v5+s12+$0x0] =	vst.idx.msk vm0, v2;
	v5 =	vor.u32 $0x20, v3  }
0x17e: {  	[tilespmem:v6+s12+$0x0] =	vst.idx.msk vm0, v2;
	v6 =	vor.u32 $0x21, v3  }
0x17f: {  	[tilespmem:v7+s12+$0x0] =	vst.idx.msk vm0, v2;
	v7 =	vor.u32 $0x22, v3  }
0x180: {  	[tilespmem:v8+s12+$0x0] =	vst.idx.msk vm0, v2;
	v8 =	vor.u32 $0x23, v3  }
0x181: {  	[tilespmem:v4+s12+$0x0] =	vst.idx.msk vm0, v2;
	v4 =	vor.u32 $0x24, v3  }
0x182: {  	[tilespmem:v5+s12+$0x0] =	vst.idx.msk vm0, v2;
	v5 =	vor.u32 $0x25, v3  }
0x183: {  	[tilespmem:v6+s12+$0x0] =	vst.idx.msk vm0, v2;
	v6 =	vor.u32 $0x26, v3  }
0x184: {  	[tilespmem:v7+s12+$0x0] =	vst.idx.msk vm0, v2;
	v7 =	vor.u32 $0x27, v3  }
0x185: {  	[tilespmem:v8+s12+$0x0] =	vst.idx.msk vm0, v2;
	v8 =	vor.u32 $0x28, v3  }
0x186: {  	[tilespmem:v4+s12+$0x0] =	vst.idx.msk vm0, v2;
	v4 =	vor.u32 $0x29, v3  }
0x187: {  	[tilespmem:v5+s12+$0x0] =	vst.idx.msk vm0, v2;
	v5 =	vor.u32 $0x2A, v3  }
0x188: {  	[tilespmem:v6+s12+$0x0] =	vst.idx.msk vm0, v2;
	v6 =	vor.u32 $0x2B, v3  }
0x189: {  	[tilespmem:v7+s12+$0x0] =	vst.idx.msk vm0, v2;
	v7 =	vor.u32 $0x2C, v3  }
0x18a: {  	[tilespmem:v8+s12+$0x0] =	vst.idx.msk vm0, v2;
	v8 =	vor.u32 $0x2D, v3  }
0x18b: {  	[tilespmem:v4+s12+$0x0] =	vst.idx.msk vm0, v2;
	v4 =	vor.u32 $0x2E, v3  }
0x18c: {  	[tilespmem:v5+s12+$0x0] =	vst.idx.msk vm0, v2;
	v5 =	vor.u32 $0x2F, v3  }
0x18d: {  	[tilespmem:v6+s12+$0x0] =	vst.idx.msk vm0, v2;
	v6 =	vor.u32 $0x30, v3  }
0x18e: {  	[tilespmem:v7+s12+$0x0] =	vst.idx.msk vm0, v2;
	v7 =	vor.u32 $0x31, v3  }
0x18f: {  	[tilespmem:v8+s12+$0x0] =	vst.idx.msk vm0, v2;
	v8 =	vor.u32 $0x32, v3  }
0x190: {  	[tilespmem:v4+s12+$0x0] =	vst.idx.msk vm0, v2;
	v4 =	vor.u32 $0x33, v3  }
0x191: {  	[tilespmem:v5+s12+$0x0] =	vst.idx.msk vm0, v2;
	v5 =	vor.u32 $0x34, v3  }
0x192: {  	[tilespmem:v6+s12+$0x0] =	vst.idx.msk vm0, v2;
	v6 =	vor.u32 $0x35, v3  }
0x193: {  	[tilespmem:v7+s12+$0x0] =	vst.idx.msk vm0, v2;
	v7 =	vor.u32 $0x36, v3  }
0x194: {  	[tilespmem:v8+s12+$0x0] =	vst.idx.msk vm0, v2;
	v8 =	vor.u32 $0x37, v3  }
0x195: {  	[tilespmem:v4+s12+$0x0] =	vst.idx.msk vm0, v2;
	v4 =	vor.u32 $0x38, v3  }
0x196: {  	[tilespmem:v5+s12+$0x0] =	vst.idx.msk vm0, v2;
	v5 =	vor.u32 $0x39, v3  }
0x197: {  	[tilespmem:v6+s12+$0x0] =	vst.idx.msk vm0, v2;
	v6 =	vor.u32 $0x3A, v3  }
0x198: {  	[tilespmem:v7+s12+$0x0] =	vst.idx.msk vm0, v2;
	v7 =	vor.u32 $0x3B, v3  }
0x199: {  	[tilespmem:v8+s12+$0x0] =	vst.idx.msk vm0, v2;
	v8 =	vor.u32 $0x3C, v3  }
0x19a: {  	[tilespmem:v4+s12+$0x0] =	vst.idx.msk vm0, v2;
	v4 =	vor.u32 $0x3D, v3  }
0x19b: {  	[tilespmem:v5+s12+$0x0] =	vst.idx.msk vm0, v2;
	v5 =	vor.u32 $0x3E, v3  }
.Ltmp9:
0x19c: {  	v3 =	vor.u32 $0x3F, v3;
	[tilespmem:v6+s12+$0x0] =	vst.idx.msk vm0, v2;
	(pc) =	sbr.rel @p0 .LBB2_12-.Ltmp9, $4  }
0x19d: {  	[tilespmem:v7+s12+$0x0] =	vst.idx.msk vm0, v2  }
0x19e: {  	[tilespmem:v8+s12+$0x0] =	vst.idx.msk vm0, v2  }
0x19f: {  	[tilespmem:v4+s12+$0x0] =	vst.idx.msk vm0, v2  }
0x1a0: {  	[tilespmem:v5+s12+$0x0] =	vst.idx.msk vm0, v2  }
0x1a1: {  	_ = 	snop  }
.Ltmp10:
0x1a2: {  	_ = 	snop;
	(pc) =	sbr.rel .LBB2_14-.Ltmp10, $2  }
0x1a3: {  	_ =	sdelay $0x2  }
0x1a4: {  	[tilespmem:v3+s12+$0x0] =	vst.idx.msk vm0, v2  }
.LBB2_16:
0x1a5: {  	_ =	sfence.sel $0x180000  }
0x1a6: {  	[bflag:$0x0] =	sbarrier.arrive $0xFFFF  }
0x1a7: {  	p0 =	sne.s32 s0, $0x0;
	_ =	strace $0x90000047  }
0x1a8: {  	s0 =	sadd.s32 @!p0 $0x100000, s1;
	[bflag:$0x2] =	sbarrier.arrive $0xFFFF  }
0x1a9: {  	[sflag:s0] =	ssyncadd.tile.s32 @!p0 $0x1;
	_ =	shalt  }
.Lfunc_end2:
_tile_overlayer_lowered:
.L_overlay_start_2:
0x1aa: {  	(tag) =	ssettag $0x2  }
0x1ab: {  	s0 =	rddreg [dreg:$0x0];
	s2 =	stileid.u32  }
0x1ac: {  	s1 =	rddreg [dreg:$0x1];
	p0 =	sne.s32 s2, $0x0  }
0x1ad: {  	s3 =	rddreg [dreg:$0x2];
	[bflag:$0x3] =	sbarrier.arrive $0xFFFF;
	s2 =	simm.s32 @!p0 $0x1C03  }
0x1ae: {  	[timem:s3], [sflag:s2] =	dma.local @!p0 [hbm:s0], s1  }
0x1af: {  	s0 =	simm.s32 @!p0 $0x3  }
0x1b0: {  	_ =	swait.ge @!p0 [sflag:s0], s1  }
0x1b1: {  	s1 =	ssub.s32 @!p0 $0x0, s1;
	[sflag:s0] =	ssyncset.done @!p0 $0x0  }
0x1b2: {  	[sflag:s0] =	ssyncadd.s32 @!p0 s1  }
0x1b3: {  	[bflag:$0x3] =	sbarrier.arrive $0xFFFF  }
0x1b4: {  	_ =	shalt  }

</sc_bundles>
